<compile_context>
chip_gen: v7x
topology: tpu7x:2x2x1
jax: 0.10.2.dev20260603
libtpu: 0.0.44.dev20260713+nightly
codegen_flags: <defaults>
</compile_context>

<pallas_src>
import functools

import jax
import jax.numpy as jnp
from jax import lax
from jax.experimental import pallas as pl
from jax.experimental.pallas import tpu as pltpu
from jax.experimental.pallas import tpu_sc as plsc


def _dequant_body(w_ref, s_ref, o_ref):
    rows = lax.broadcasted_iota(jnp.int32, (8, 128), 0)
    cols = lax.broadcasted_iota(jnp.int32, (8, 128), 1)
    expand = (cols // 16 == rows).astype(jnp.float32)
    s128 = jnp.dot(s_ref[...], expand, preferred_element_type=jnp.float32)
    o_ref[...] = w_ref[...].astype(jnp.float32) * s128


def _dequantize(w128, s8, blk):
    rows, lanes = w128.shape
    return pl.pallas_call(
        _dequant_body,
        grid=(rows // blk,),
        in_specs=[
            pl.BlockSpec((blk, lanes), lambda i: (i, 0)),
            pl.BlockSpec((blk, 8), lambda i: (i, 0)),
        ],
        out_specs=pl.BlockSpec((blk, lanes), lambda i: (i, 0)),
        out_shape=jax.ShapeDtypeStruct((rows, lanes), jnp.float32),
    )(w128, s8)


def _sc_gather(table, idx_flat, d):
    info = plsc.get_sparse_core_info()
    nc, ns = info.num_cores, info.num_subcores
    nw = nc * ns
    n = idx_flat.shape[0]
    per_w = n // nw
    ch = 1600
    n_ch = per_w // ch
    nbuf = 3
    mesh = plsc.VectorSubcoreMesh(core_axis_name="c", subcore_axis_name="s")

    @functools.partial(
        pl.kernel,
        mesh=mesh,
        out_type=jax.ShapeDtypeStruct((n, d), jnp.float32),
        scratch_types=[pltpu.VMEM((per_w,), jnp.int32)]
        + [pltpu.VMEM((ch, d), jnp.float32) for _ in range(nbuf)]
        + [pltpu.SemaphoreType.DMA for _ in range(2 * nbuf)],
        compiler_params=pltpu.CompilerParams(use_tc_tiling_on_sc=False),
    )
    def k(table_hbm, idx_hbm, out_hbm, idx_v, *bufs_and_sems):
        rows = list(bufs_and_sems[:nbuf])
        gsem = list(bufs_and_sems[nbuf : 2 * nbuf])
        wsem = list(bufs_and_sems[2 * nbuf :])
        wid = lax.axis_index("s") * nc + lax.axis_index("c")
        base = wid * per_w

        pltpu.sync_copy(idx_hbm.at[pl.ds(base, per_w)], idx_v)

        gh = [None] * nbuf
        wh = [None] * nbuf
        for g in range(nbuf):
            gh[g] = pltpu.async_copy(
                table_hbm.at[idx_v.at[pl.ds(g * ch, ch)]], rows[g], gsem[g]
            )
        for g in range(n_ch):
            b = g % nbuf
            gh[b].wait()
            wh[b] = pltpu.async_copy(
                rows[b], out_hbm.at[pl.ds(base + g * ch, ch)], wsem[b]
            )
            ng = g + nbuf
            if ng < n_ch:
                wh[b].wait()
                gh[b] = pltpu.async_copy(
                    table_hbm.at[idx_v.at[pl.ds(ng * ch, ch)]], rows[b], gsem[b]
                )
        for g in range(n_ch - nbuf, n_ch):
            wh[g % nbuf].wait()

    return k(table, idx_flat)


def kernel(input, weight, weight_scale):
    v, d = weight.shape
    w128 = weight.reshape(v // 8, 8 * d)
    s8 = weight_scale.reshape(v // 8, 8)
    table128 = _dequantize(w128, s8, blk=5000)
    table = table128.reshape(v, d)
    idx = input.reshape(-1)
    out = _sc_gather(table, idx, d)
    return out.reshape(*input.shape, d)

# --- scband reference (transcript-rebuilt; emitter-appended) ---
"""Pipeline reference for scband-quantized-embedding-28458453303848 (READ-ONLY COPY).

The authoritative reference and input builder live on the scoring server;
editing this copy changes nothing except your own understanding.
"""

import jax, jax.numpy as jnp
import numpy as np

V = 1000000
D = 16
B = 16384
L = 50

def setup_inputs(seed: int = 0) -> dict:
    key = jax.random.key(seed)
    k1, k2, k3 = jax.random.split(key, 3)
    input_ids = jax.random.randint(k1, (B, L), 0, V, dtype=jnp.int32)
    weight = jax.random.randint(k2, (V, D), -128, 127, dtype=jnp.int32).astype(jnp.int8)
    weight_scale = jax.random.uniform(k3, (V,), dtype=jnp.float32) * 0.02 + 0.005
    return {"input": input_ids, "weight": weight, "weight_scale": weight_scale}

def reference(input, weight, weight_scale):
    # Dequantize the int8 table: per-row scale, matching weight.float() * weight_scale.view(-1, 1)
    weight_float = weight.astype(jnp.float32) * weight_scale[:, None]
    # F.embedding with padding_idx=None, max_norm=None -> plain row gather
    out = jnp.take(weight_float, input, axis=0)
    return out

if __name__ == "__main__":
    import jax
    _d = setup_inputs()
    print(jax.jit(kernel)(*tuple(_d.values())))

</pallas_src>

<mosaic_0001>
#map = affine_map<(d0, d1) -> (0, 0)>
#map1 = affine_map<(d0, d1) -> (0)>
module attributes {stable_mosaic.version = 14 : i64} {
  func.func @k(%arg0: i32, %arg1: i32, %arg2: memref<1000000x16xf32, #tpu.memory_space<hbm>>, %arg3: memref<819200xi32, #tpu.memory_space<hbm>>, %arg4: memref<819200x16xf32, #tpu.memory_space<hbm>>, %arg5: memref<25600xi32, #tpu.memory_space<vmem>>, %arg6: memref<1600x16xf32, #tpu.memory_space<vmem>>, %arg7: memref<1600x16xf32, #tpu.memory_space<vmem>>, %arg8: memref<1600x16xf32, #tpu.memory_space<vmem>>, %arg9: memref<!tpu.dma_semaphore, #tpu.memory_space<semaphore_mem>>, %arg10: memref<!tpu.dma_semaphore, #tpu.memory_space<semaphore_mem>>, %arg11: memref<!tpu.dma_semaphore, #tpu.memory_space<semaphore_mem>>, %arg12: memref<!tpu.dma_semaphore, #tpu.memory_space<semaphore_mem>>, %arg13: memref<!tpu.dma_semaphore, #tpu.memory_space<semaphore_mem>>, %arg14: memref<!tpu.dma_semaphore, #tpu.memory_space<semaphore_mem>>) attributes {dimension_semantics = [#tpu.dimension_semantics<core_parallel>, #tpu.dimension_semantics<subcore_parallel>], iteration_bounds = array<i64: 2, 16>, scalar_prefetch = 0 : i64, scratch_operands = 10 : i64, tpu.core_type = #tpu.core_type<sc_vector_subcore>, window_params = [{transform_indices = #map}, {transform_indices = #map1}, {transform_indices = #map}]} {
    %mul3A = arith.constant 2 : i32
    %mul3A_0 = arith.muli %arg1, %mul3A : i32
    %add3A = arith.addi %mul3A_0, %arg0 : i32
    %mul3A_1 = arith.constant 25600 : i32
    %mul3A_2 = arith.muli %add3A, %mul3A_1 : i32
    "tpu.region"() ({
      %run_scoped3A = tpu.sem_alloc : memref<!tpu.dma_semaphore, #tpu.memory_space<semaphore_mem>>
      %dma_start3A_321 = tpu.memref_slice %arg3[%mul3A_2] : memref<819200xi32, #tpu.memory_space<hbm>> -> memref<25600xi32, #tpu.memory_space<hbm>>
      %dma_start3A_322 = tpu.memref_slice %arg3[%mul3A_2] : memref<819200xi32, #tpu.memory_space<hbm>> -> memref<25600xi32, #tpu.memory_space<hbm>>
      tpu.enqueue_dma source(%dma_start3A_322 : memref<25600xi32, #tpu.memory_space<hbm>>) target(%arg5 : memref<25600xi32, #tpu.memory_space<vmem>>) target_semaphore(%run_scoped3A : memref<!tpu.dma_semaphore, #tpu.memory_space<semaphore_mem>>)
      %dma_wait3A_323 = tpu.memref_slice %arg3[%mul3A_2] : memref<819200xi32, #tpu.memory_space<hbm>> -> memref<25600xi32, #tpu.memory_space<hbm>>
      %dma_wait3A_324 = tpu.memref_slice %arg3[%mul3A_2] : memref<819200xi32, #tpu.memory_space<hbm>> -> memref<25600xi32, #tpu.memory_space<hbm>>
      tpu.wait_dma2 semaphore(%run_scoped3A : memref<!tpu.dma_semaphore, #tpu.memory_space<semaphore_mem>>) src(%dma_wait3A_324 : memref<25600xi32, #tpu.memory_space<hbm>>) dst(%arg5 : memref<25600xi32, #tpu.memory_space<vmem>>)
      tpu.yield
    }) : () -> ()
    %dma_start3A = arith.constant 0 : i32
    %dma_start3A_3 = tpu.memref_slice %arg5[%dma_start3A] : memref<25600xi32, #tpu.memory_space<vmem>> -> memref<1600xi32, #tpu.memory_space<vmem>>
    %dma_start3A_4 = arith.constant 0 : i32
    %dma_start3A_5 = arith.constant 0 : i32
    %dma_start3A_6 = tpu.memref_slice %arg2[%dma_start3A_4, %dma_start3A_5] : memref<1000000x16xf32, #tpu.memory_space<hbm>> -> memref<1000000x16xf32, #tpu.memory_space<hbm>>
    tpu.enqueue_indirect_dma source(%dma_start3A_6 : memref<1000000x16xf32, #tpu.memory_space<hbm>>) target(%arg6 : memref<1600x16xf32, #tpu.memory_space<vmem>>) offsets(%dma_start3A_3 : memref<1600xi32, #tpu.memory_space<vmem>>) semaphore(%arg9 : memref<!tpu.dma_semaphore, #tpu.memory_space<semaphore_mem>>)
    %dma_start3A_7 = arith.constant 1600 : i32
    %dma_start3A_8 = tpu.memref_slice %arg5[%dma_start3A_7] : memref<25600xi32, #tpu.memory_space<vmem>> -> memref<1600xi32, #tpu.memory_space<vmem>>
    %dma_start3A_9 = arith.constant 0 : i32
    %dma_start3A_10 = arith.constant 0 : i32
    %dma_start3A_11 = tpu.memref_slice %arg2[%dma_start3A_9, %dma_start3A_10] : memref<1000000x16xf32, #tpu.memory_space<hbm>> -> memref<1000000x16xf32, #tpu.memory_space<hbm>>
    tpu.enqueue_indirect_dma source(%dma_start3A_11 : memref<1000000x16xf32, #tpu.memory_space<hbm>>) target(%arg7 : memref<1600x16xf32, #tpu.memory_space<vmem>>) offsets(%dma_start3A_8 : memref<1600xi32, #tpu.memory_space<vmem>>) semaphore(%arg10 : memref<!tpu.dma_semaphore, #tpu.memory_space<semaphore_mem>>)
    %dma_start3A_12 = arith.constant 3200 : i32
    %dma_start3A_13 = tpu.memref_slice %arg5[%dma_start3A_12] : memref<25600xi32, #tpu.memory_space<vmem>> -> memref<1600xi32, #tpu.memory_space<vmem>>
    %dma_start3A_14 = arith.constant 0 : i32
    %dma_start3A_15 = arith.constant 0 : i32
    %dma_start3A_16 = tpu.memref_slice %arg2[%dma_start3A_14, %dma_start3A_15] : memref<1000000x16xf32, #tpu.memory_space<hbm>> -> memref<1000000x16xf32, #tpu.memory_space<hbm>>
    tpu.enqueue_indirect_dma source(%dma_start3A_16 : memref<1000000x16xf32, #tpu.memory_space<hbm>>) target(%arg8 : memref<1600x16xf32, #tpu.memory_space<vmem>>) offsets(%dma_start3A_13 : memref<1600xi32, #tpu.memory_space<vmem>>) semaphore(%arg11 : memref<!tpu.dma_semaphore, #tpu.memory_space<semaphore_mem>>)
    %dma_wait3A = arith.constant 0 : i32
    %dma_wait3A_17 = tpu.memref_slice %arg5[%dma_wait3A] : memref<25600xi32, #tpu.memory_space<vmem>> -> memref<1600xi32, #tpu.memory_space<vmem>>
    %dma_wait3A_18 = arith.constant 0 : i32
    %dma_wait3A_19 = arith.constant 0 : i32
    %dma_wait3A_20 = tpu.memref_slice %arg2[%dma_wait3A_18, %dma_wait3A_19] : memref<1000000x16xf32, #tpu.memory_space<hbm>> -> memref<1000000x16xf32, #tpu.memory_space<hbm>>
    tpu.wait_indirect_dma semaphore(%arg9 : memref<!tpu.dma_semaphore, #tpu.memory_space<semaphore_mem>>) src(%dma_wait3A_20 : memref<1000000x16xf32, #tpu.memory_space<hbm>>) dst(%arg6 : memref<1600x16xf32, #tpu.memory_space<vmem>>)
    %add3A_21 = arith.constant 0 : i32
    %add3A_22 = arith.addi %mul3A_2, %add3A_21 : i32
    %dma_start3A_23 = arith.constant 0 : i32
    %dma_start3A_24 = tpu.memref_slice %arg4[%add3A_22, %dma_start3A_23] : memref<819200x16xf32, #tpu.memory_space<hbm>> -> memref<1600x16xf32, #tpu.memory_space<hbm>>
    %dma_start3A_25 = arith.constant 0 : i32
    %dma_start3A_26 = tpu.memref_slice %arg4[%add3A_22, %dma_start3A_25] : memref<819200x16xf32, #tpu.memory_space<hbm>> -> memref<1600x16xf32, #tpu.memory_space<hbm>>
    tpu.enqueue_dma source(%arg6 : memref<1600x16xf32, #tpu.memory_space<vmem>>) target(%dma_start3A_26 : memref<1600x16xf32, #tpu.memory_space<hbm>>) target_semaphore(%arg12 : memref<!tpu.dma_semaphore, #tpu.memory_space<semaphore_mem>>)
    %dma_wait3A_27 = arith.constant 0 : i32
    %dma_wait3A_28 = tpu.memref_slice %arg4[%add3A_22, %dma_wait3A_27] : memref<819200x16xf32, #tpu.memory_space<hbm>> -> memref<1600x16xf32, #tpu.memory_space<hbm>>
    %dma_wait3A_29 = arith.constant 0 : i32
    %dma_wait3A_30 = tpu.memref_slice %arg4[%add3A_22, %dma_wait3A_29] : memref<819200x16xf32, #tpu.memory_space<hbm>> -> memref<1600x16xf32, #tpu.memory_space<hbm>>
    tpu.wait_dma2 semaphore(%arg12 : memref<!tpu.dma_semaphore, #tpu.memory_space<semaphore_mem>>) src(%arg6 : memref<1600x16xf32, #tpu.memory_space<vmem>>) dst(%dma_wait3A_30 : memref<1600x16xf32, #tpu.memory_space<hbm>>)
    %dma_start3A_31 = arith.constant 4800 : i32
    %dma_start3A_32 = tpu.memref_slice %arg5[%dma_start3A_31] : memref<25600xi32, #tpu.memory_space<vmem>> -> memref<1600xi32, #tpu.memory_space<vmem>>
    %dma_start3A_33 = arith.constant 0 : i32
    %dma_start3A_34 = arith.constant 0 : i32
    %dma_start3A_35 = tpu.memref_slice %arg2[%dma_start3A_33, %dma_start3A_34] : memref<1000000x16xf32, #tpu.memory_space<hbm>> -> memref<1000000x16xf32, #tpu.memory_space<hbm>>
    tpu.enqueue_indirect_dma source(%dma_start3A_35 : memref<1000000x16xf32, #tpu.memory_space<hbm>>) target(%arg6 : memref<1600x16xf32, #tpu.memory_space<vmem>>) offsets(%dma_start3A_32 : memref<1600xi32, #tpu.memory_space<vmem>>) semaphore(%arg9 : memref<!tpu.dma_semaphore, #tpu.memory_space<semaphore_mem>>)
    %dma_wait3A_36 = arith.constant 1600 : i32
    %dma_wait3A_37 = tpu.memref_slice %arg5[%dma_wait3A_36] : memref<25600xi32, #tpu.memory_space<vmem>> -> memref<1600xi32, #tpu.memory_space<vmem>>
    %dma_wait3A_38 = arith.constant 0 : i32
    %dma_wait3A_39 = arith.constant 0 : i32
    %dma_wait3A_40 = tpu.memref_slice %arg2[%dma_wait3A_38, %dma_wait3A_39] : memref<1000000x16xf32, #tpu.memory_space<hbm>> -> memref<1000000x16xf32, #tpu.memory_space<hbm>>
    tpu.wait_indirect_dma semaphore(%arg10 : memref<!tpu.dma_semaphore, #tpu.memory_space<semaphore_mem>>) src(%dma_wait3A_40 : memref<1000000x16xf32, #tpu.memory_space<hbm>>) dst(%arg7 : memref<1600x16xf32, #tpu.memory_space<vmem>>)
    %add3A_41 = arith.constant 1600 : i32
    %add3A_42 = arith.addi %mul3A_2, %add3A_41 : i32
    %dma_start3A_43 = arith.constant 0 : i32
    %dma_start3A_44 = tpu.memref_slice %arg4[%add3A_42, %dma_start3A_43] : memref<819200x16xf32, #tpu.memory_space<hbm>> -> memref<1600x16xf32, #tpu.memory_space<hbm>>
    %dma_start3A_45 = arith.constant 0 : i32
    %dma_start3A_46 = tpu.memref_slice %arg4[%add3A_42, %dma_start3A_45] : memref<819200x16xf32, #tpu.memory_space<hbm>> -> memref<1600x16xf32, #tpu.memory_space<hbm>>
    tpu.enqueue_dma source(%arg7 : memref<1600x16xf32, #tpu.memory_space<vmem>>) target(%dma_start3A_46 : memref<1600x16xf32, #tpu.memory_space<hbm>>) target_semaphore(%arg13 : memref<!tpu.dma_semaphore, #tpu.memory_space<semaphore_mem>>)
    %dma_wait3A_47 = arith.constant 0 : i32
    %dma_wait3A_48 = tpu.memref_slice %arg4[%add3A_42, %dma_wait3A_47] : memref<819200x16xf32, #tpu.memory_space<hbm>> -> memref<1600x16xf32, #tpu.memory_space<hbm>>
    %dma_wait3A_49 = arith.constant 0 : i32
    %dma_wait3A_50 = tpu.memref_slice %arg4[%add3A_42, %dma_wait3A_49] : memref<819200x16xf32, #tpu.memory_space<hbm>> -> memref<1600x16xf32, #tpu.memory_space<hbm>>
    tpu.wait_dma2 semaphore(%arg13 : memref<!tpu.dma_semaphore, #tpu.memory_space<semaphore_mem>>) src(%arg7 : memref<1600x16xf32, #tpu.memory_space<vmem>>) dst(%dma_wait3A_50 : memref<1600x16xf32, #tpu.memory_space<hbm>>)
    %dma_start3A_51 = arith.constant 6400 : i32
    %dma_start3A_52 = tpu.memref_slice %arg5[%dma_start3A_51] : memref<25600xi32, #tpu.memory_space<vmem>> -> memref<1600xi32, #tpu.memory_space<vmem>>
    %dma_start3A_53 = arith.constant 0 : i32
    %dma_start3A_54 = arith.constant 0 : i32
    %dma_start3A_55 = tpu.memref_slice %arg2[%dma_start3A_53, %dma_start3A_54] : memref<1000000x16xf32, #tpu.memory_space<hbm>> -> memref<1000000x16xf32, #tpu.memory_space<hbm>>
    tpu.enqueue_indirect_dma source(%dma_start3A_55 : memref<1000000x16xf32, #tpu.memory_space<hbm>>) target(%arg7 : memref<1600x16xf32, #tpu.memory_space<vmem>>) offsets(%dma_start3A_52 : memref<1600xi32, #tpu.memory_space<vmem>>) semaphore(%arg10 : memref<!tpu.dma_semaphore, #tpu.memory_space<semaphore_mem>>)
    %dma_wait3A_56 = arith.constant 3200 : i32
    %dma_wait3A_57 = tpu.memref_slice %arg5[%dma_wait3A_56] : memref<25600xi32, #tpu.memory_space<vmem>> -> memref<1600xi32, #tpu.memory_space<vmem>>
    %dma_wait3A_58 = arith.constant 0 : i32
    %dma_wait3A_59 = arith.constant 0 : i32
    %dma_wait3A_60 = tpu.memref_slice %arg2[%dma_wait3A_58, %dma_wait3A_59] : memref<1000000x16xf32, #tpu.memory_space<hbm>> -> memref<1000000x16xf32, #tpu.memory_space<hbm>>
    tpu.wait_indirect_dma semaphore(%arg11 : memref<!tpu.dma_semaphore, #tpu.memory_space<semaphore_mem>>) src(%dma_wait3A_60 : memref<1000000x16xf32, #tpu.memory_space<hbm>>) dst(%arg8 : memref<1600x16xf32, #tpu.memory_space<vmem>>)
    %add3A_61 = arith.constant 3200 : i32
    %add3A_62 = arith.addi %mul3A_2, %add3A_61 : i32
    %dma_start3A_63 = arith.constant 0 : i32
    %dma_start3A_64 = tpu.memref_slice %arg4[%add3A_62, %dma_start3A_63] : memref<819200x16xf32, #tpu.memory_space<hbm>> -> memref<1600x16xf32, #tpu.memory_space<hbm>>
    %dma_start3A_65 = arith.constant 0 : i32
    %dma_start3A_66 = tpu.memref_slice %arg4[%add3A_62, %dma_start3A_65] : memref<819200x16xf32, #tpu.memory_space<hbm>> -> memref<1600x16xf32, #tpu.memory_space<hbm>>
    tpu.enqueue_dma source(%arg8 : memref<1600x16xf32, #tpu.memory_space<vmem>>) target(%dma_start3A_66 : memref<1600x16xf32, #tpu.memory_space<hbm>>) target_semaphore(%arg14 : memref<!tpu.dma_semaphore, #tpu.memory_space<semaphore_mem>>)
    %dma_wait3A_67 = arith.constant 0 : i32
    %dma_wait3A_68 = tpu.memref_slice %arg4[%add3A_62, %dma_wait3A_67] : memref<819200x16xf32, #tpu.memory_space<hbm>> -> memref<1600x16xf32, #tpu.memory_space<hbm>>
    %dma_wait3A_69 = arith.constant 0 : i32
    %dma_wait3A_70 = tpu.memref_slice %arg4[%add3A_62, %dma_wait3A_69] : memref<819200x16xf32, #tpu.memory_space<hbm>> -> memref<1600x16xf32, #tpu.memory_space<hbm>>
    tpu.wait_dma2 semaphore(%arg14 : memref<!tpu.dma_semaphore, #tpu.memory_space<semaphore_mem>>) src(%arg8 : memref<1600x16xf32, #tpu.memory_space<vmem>>) dst(%dma_wait3A_70 : memref<1600x16xf32, #tpu.memory_space<hbm>>)
    %dma_start3A_71 = arith.constant 8000 : i32
    %dma_start3A_72 = tpu.memref_slice %arg5[%dma_start3A_71] : memref<25600xi32, #tpu.memory_space<vmem>> -> memref<1600xi32, #tpu.memory_space<vmem>>
    %dma_start3A_73 = arith.constant 0 : i32
    %dma_start3A_74 = arith.constant 0 : i32
    %dma_start3A_75 = tpu.memref_slice %arg2[%dma_start3A_73, %dma_start3A_74] : memref<1000000x16xf32, #tpu.memory_space<hbm>> -> memref<1000000x16xf32, #tpu.memory_space<hbm>>
    tpu.enqueue_indirect_dma source(%dma_start3A_75 : memref<1000000x16xf32, #tpu.memory_space<hbm>>) target(%arg8 : memref<1600x16xf32, #tpu.memory_space<vmem>>) offsets(%dma_start3A_72 : memref<1600xi32, #tpu.memory_space<vmem>>) semaphore(%arg11 : memref<!tpu.dma_semaphore, #tpu.memory_space<semaphore_mem>>)
    %dma_wait3A_76 = arith.constant 4800 : i32
    %dma_wait3A_77 = tpu.memref_slice %arg5[%dma_wait3A_76] : memref<25600xi32, #tpu.memory_space<vmem>> -> memref<1600xi32, #tpu.memory_space<vmem>>
    %dma_wait3A_78 = arith.constant 0 : i32
    %dma_wait3A_79 = arith.constant 0 : i32
    %dma_wait3A_80 = tpu.memref_slice %arg2[%dma_wait3A_78, %dma_wait3A_79] : memref<1000000x16xf32, #tpu.memory_space<hbm>> -> memref<1000000x16xf32, #tpu.memory_space<hbm>>
    tpu.wait_indirect_dma semaphore(%arg9 : memref<!tpu.dma_semaphore, #tpu.memory_space<semaphore_mem>>) src(%dma_wait3A_80 : memref<1000000x16xf32, #tpu.memory_space<hbm>>) dst(%arg6 : memref<1600x16xf32, #tpu.memory_space<vmem>>)
    %add3A_81 = arith.constant 4800 : i32
    %add3A_82 = arith.addi %mul3A_2, %add3A_81 : i32
    %dma_start3A_83 = arith.constant 0 : i32
    %dma_start3A_84 = tpu.memref_slice %arg4[%add3A_82, %dma_start3A_83] : memref<819200x16xf32, #tpu.memory_space<hbm>> -> memref<1600x16xf32, #tpu.memory_space<hbm>>
    %dma_start3A_85 = arith.constant 0 : i32
    %dma_start3A_86 = tpu.memref_slice %arg4[%add3A_82, %dma_start3A_85] : memref<819200x16xf32, #tpu.memory_space<hbm>> -> memref<1600x16xf32, #tpu.memory_space<hbm>>
    tpu.enqueue_dma source(%arg6 : memref<1600x16xf32, #tpu.memory_space<vmem>>) target(%dma_start3A_86 : memref<1600x16xf32, #tpu.memory_space<hbm>>) target_semaphore(%arg12 : memref<!tpu.dma_semaphore, #tpu.memory_space<semaphore_mem>>)
    %dma_wait3A_87 = arith.constant 0 : i32
    %dma_wait3A_88 = tpu.memref_slice %arg4[%add3A_82, %dma_wait3A_87] : memref<819200x16xf32, #tpu.memory_space<hbm>> -> memref<1600x16xf32, #tpu.memory_space<hbm>>
    %dma_wait3A_89 = arith.constant 0 : i32
    %dma_wait3A_90 = tpu.memref_slice %arg4[%add3A_82, %dma_wait3A_89] : memref<819200x16xf32, #tpu.memory_space<hbm>> -> memref<1600x16xf32, #tpu.memory_space<hbm>>
    tpu.wait_dma2 semaphore(%arg12 : memref<!tpu.dma_semaphore, #tpu.memory_space<semaphore_mem>>) src(%arg6 : memref<1600x16xf32, #tpu.memory_space<vmem>>) dst(%dma_wait3A_90 : memref<1600x16xf32, #tpu.memory_space<hbm>>)
    %dma_start3A_91 = arith.constant 9600 : i32
    %dma_start3A_92 = tpu.memref_slice %arg5[%dma_start3A_91] : memref<25600xi32, #tpu.memory_space<vmem>> -> memref<1600xi32, #tpu.memory_space<vmem>>
    %dma_start3A_93 = arith.constant 0 : i32
    %dma_start3A_94 = arith.constant 0 : i32
    %dma_start3A_95 = tpu.memref_slice %arg2[%dma_start3A_93, %dma_start3A_94] : memref<1000000x16xf32, #tpu.memory_space<hbm>> -> memref<1000000x16xf32, #tpu.memory_space<hbm>>
    tpu.enqueue_indirect_dma source(%dma_start3A_95 : memref<1000000x16xf32, #tpu.memory_space<hbm>>) target(%arg6 : memref<1600x16xf32, #tpu.memory_space<vmem>>) offsets(%dma_start3A_92 : memref<1600xi32, #tpu.memory_space<vmem>>) semaphore(%arg9 : memref<!tpu.dma_semaphore, #tpu.memory_space<semaphore_mem>>)
    %dma_wait3A_96 = arith.constant 6400 : i32
    %dma_wait3A_97 = tpu.memref_slice %arg5[%dma_wait3A_96] : memref<25600xi32, #tpu.memory_space<vmem>> -> memref<1600xi32, #tpu.memory_space<vmem>>
    %dma_wait3A_98 = arith.constant 0 : i32
    %dma_wait3A_99 = arith.constant 0 : i32
    %dma_wait3A_100 = tpu.memref_slice %arg2[%dma_wait3A_98, %dma_wait3A_99] : memref<1000000x16xf32, #tpu.memory_space<hbm>> -> memref<1000000x16xf32, #tpu.memory_space<hbm>>
    tpu.wait_indirect_dma semaphore(%arg10 : memref<!tpu.dma_semaphore, #tpu.memory_space<semaphore_mem>>) src(%dma_wait3A_100 : memref<1000000x16xf32, #tpu.memory_space<hbm>>) dst(%arg7 : memref<1600x16xf32, #tpu.memory_space<vmem>>)
    %add3A_101 = arith.constant 6400 : i32
    %add3A_102 = arith.addi %mul3A_2, %add3A_101 : i32
    %dma_start3A_103 = arith.constant 0 : i32
    %dma_start3A_104 = tpu.memref_slice %arg4[%add3A_102, %dma_start3A_103] : memref<819200x16xf32, #tpu.memory_space<hbm>> -> memref<1600x16xf32, #tpu.memory_space<hbm>>
    %dma_start3A_105 = arith.constant 0 : i32
    %dma_start3A_106 = tpu.memref_slice %arg4[%add3A_102, %dma_start3A_105] : memref<819200x16xf32, #tpu.memory_space<hbm>> -> memref<1600x16xf32, #tpu.memory_space<hbm>>
    tpu.enqueue_dma source(%arg7 : memref<1600x16xf32, #tpu.memory_space<vmem>>) target(%dma_start3A_106 : memref<1600x16xf32, #tpu.memory_space<hbm>>) target_semaphore(%arg13 : memref<!tpu.dma_semaphore, #tpu.memory_space<semaphore_mem>>)
    %dma_wait3A_107 = arith.constant 0 : i32
    %dma_wait3A_108 = tpu.memref_slice %arg4[%add3A_102, %dma_wait3A_107] : memref<819200x16xf32, #tpu.memory_space<hbm>> -> memref<1600x16xf32, #tpu.memory_space<hbm>>
    %dma_wait3A_109 = arith.constant 0 : i32
    %dma_wait3A_110 = tpu.memref_slice %arg4[%add3A_102, %dma_wait3A_109] : memref<819200x16xf32, #tpu.memory_space<hbm>> -> memref<1600x16xf32, #tpu.memory_space<hbm>>
    tpu.wait_dma2 semaphore(%arg13 : memref<!tpu.dma_semaphore, #tpu.memory_space<semaphore_mem>>) src(%arg7 : memref<1600x16xf32, #tpu.memory_space<vmem>>) dst(%dma_wait3A_110 : memref<1600x16xf32, #tpu.memory_space<hbm>>)
    %dma_start3A_111 = arith.constant 11200 : i32
    %dma_start3A_112 = tpu.memref_slice %arg5[%dma_start3A_111] : memref<25600xi32, #tpu.memory_space<vmem>> -> memref<1600xi32, #tpu.memory_space<vmem>>
    %dma_start3A_113 = arith.constant 0 : i32
    %dma_start3A_114 = arith.constant 0 : i32
    %dma_start3A_115 = tpu.memref_slice %arg2[%dma_start3A_113, %dma_start3A_114] : memref<1000000x16xf32, #tpu.memory_space<hbm>> -> memref<1000000x16xf32, #tpu.memory_space<hbm>>
    tpu.enqueue_indirect_dma source(%dma_start3A_115 : memref<1000000x16xf32, #tpu.memory_space<hbm>>) target(%arg7 : memref<1600x16xf32, #tpu.memory_space<vmem>>) offsets(%dma_start3A_112 : memref<1600xi32, #tpu.memory_space<vmem>>) semaphore(%arg10 : memref<!tpu.dma_semaphore, #tpu.memory_space<semaphore_mem>>)
    %dma_wait3A_116 = arith.constant 8000 : i32
    %dma_wait3A_117 = tpu.memref_slice %arg5[%dma_wait3A_116] : memref<25600xi32, #tpu.memory_space<vmem>> -> memref<1600xi32, #tpu.memory_space<vmem>>
    %dma_wait3A_118 = arith.constant 0 : i32
    %dma_wait3A_119 = arith.constant 0 : i32
    %dma_wait3A_120 = tpu.memref_slice %arg2[%dma_wait3A_118, %dma_wait3A_119] : memref<1000000x16xf32, #tpu.memory_space<hbm>> -> memref<1000000x16xf32, #tpu.memory_space<hbm>>
    tpu.wait_indirect_dma semaphore(%arg11 : memref<!tpu.dma_semaphore, #tpu.memory_space<semaphore_mem>>) src(%dma_wait3A_120 : memref<1000000x16xf32, #tpu.memory_space<hbm>>) dst(%arg8 : memref<1600x16xf32, #tpu.memory_space<vmem>>)
    %add3A_121 = arith.constant 8000 : i32
    %add3A_122 = arith.addi %mul3A_2, %add3A_121 : i32
    %dma_start3A_123 = arith.constant 0 : i32
    %dma_start3A_124 = tpu.memref_slice %arg4[%add3A_122, %dma_start3A_123] : memref<819200x16xf32, #tpu.memory_space<hbm>> -> memref<1600x16xf32, #tpu.memory_space<hbm>>
    %dma_start3A_125 = arith.constant 0 : i32
    %dma_start3A_126 = tpu.memref_slice %arg4[%add3A_122, %dma_start3A_125] : memref<819200x16xf32, #tpu.memory_space<hbm>> -> memref<1600x16xf32, #tpu.memory_space<hbm>>
    tpu.enqueue_dma source(%arg8 : memref<1600x16xf32, #tpu.memory_space<vmem>>) target(%dma_start3A_126 : memref<1600x16xf32, #tpu.memory_space<hbm>>) target_semaphore(%arg14 : memref<!tpu.dma_semaphore, #tpu.memory_space<semaphore_mem>>)
    %dma_wait3A_127 = arith.constant 0 : i32
    %dma_wait3A_128 = tpu.memref_slice %arg4[%add3A_122, %dma_wait3A_127] : memref<819200x16xf32, #tpu.memory_space<hbm>> -> memref<1600x16xf32, #tpu.memory_space<hbm>>
    %dma_wait3A_129 = arith.constant 0 : i32
    %dma_wait3A_130 = tpu.memref_slice %arg4[%add3A_122, %dma_wait3A_129] : memref<819200x16xf32, #tpu.memory_space<hbm>> -> memref<1600x16xf32, #tpu.memory_space<hbm>>
    tpu.wait_dma2 semaphore(%arg14 : memref<!tpu.dma_semaphore, #tpu.memory_space<semaphore_mem>>) src(%arg8 : memref<1600x16xf32, #tpu.memory_space<vmem>>) dst(%dma_wait3A_130 : memref<1600x16xf32, #tpu.memory_space<hbm>>)
    %dma_start3A_131 = arith.constant 12800 : i32
    %dma_start3A_132 = tpu.memref_slice %arg5[%dma_start3A_131] : memref<25600xi32, #tpu.memory_space<vmem>> -> memref<1600xi32, #tpu.memory_space<vmem>>
    %dma_start3A_133 = arith.constant 0 : i32
    %dma_start3A_134 = arith.constant 0 : i32
    %dma_start3A_135 = tpu.memref_slice %arg2[%dma_start3A_133, %dma_start3A_134] : memref<1000000x16xf32, #tpu.memory_space<hbm>> -> memref<1000000x16xf32, #tpu.memory_space<hbm>>
    tpu.enqueue_indirect_dma source(%dma_start3A_135 : memref<1000000x16xf32, #tpu.memory_space<hbm>>) target(%arg8 : memref<1600x16xf32, #tpu.memory_space<vmem>>) offsets(%dma_start3A_132 : memref<1600xi32, #tpu.memory_space<vmem>>) semaphore(%arg11 : memref<!tpu.dma_semaphore, #tpu.memory_space<semaphore_mem>>)
    %dma_wait3A_136 = arith.constant 9600 : i32
    %dma_wait3A_137 = tpu.memref_slice %arg5[%dma_wait3A_136] : memref<25600xi32, #tpu.memory_space<vmem>> -> memref<1600xi32, #tpu.memory_space<vmem>>
    %dma_wait3A_138 = arith.constant 0 : i32
    %dma_wait3A_139 = arith.constant 0 : i32
    %dma_wait3A_140 = tpu.memref_slice %arg2[%dma_wait3A_138, %dma_wait3A_139] : memref<1000000x16xf32, #tpu.memory_space<hbm>> -> memref<1000000x16xf32, #tpu.memory_space<hbm>>
    tpu.wait_indirect_dma semaphore(%arg9 : memref<!tpu.dma_semaphore, #tpu.memory_space<semaphore_mem>>) src(%dma_wait3A_140 : memref<1000000x16xf32, #tpu.memory_space<hbm>>) dst(%arg6 : memref<1600x16xf32, #tpu.memory_space<vmem>>)
    %add3A_141 = arith.constant 9600 : i32
    %add3A_142 = arith.addi %mul3A_2, %add3A_141 : i32
    %dma_start3A_143 = arith.constant 0 : i32
    %dma_start3A_144 = tpu.memref_slice %arg4[%add3A_142, %dma_start3A_143] : memref<819200x16xf32, #tpu.memory_space<hbm>> -> memref<1600x16xf32, #tpu.memory_space<hbm>>
    %dma_start3A_145 = arith.constant 0 : i32
    %dma_start3A_146 = tpu.memref_slice %arg4[%add3A_142, %dma_start3A_145] : memref<819200x16xf32, #tpu.memory_space<hbm>> -> memref<1600x16xf32, #tpu.memory_space<hbm>>
    tpu.enqueue_dma source(%arg6 : memref<1600x16xf32, #tpu.memory_space<vmem>>) target(%dma_start3A_146 : memref<1600x16xf32, #tpu.memory_space<hbm>>) target_semaphore(%arg12 : memref<!tpu.dma_semaphore, #tpu.memory_space<semaphore_mem>>)
    %dma_wait3A_147 = arith.constant 0 : i32
    %dma_wait3A_148 = tpu.memref_slice %arg4[%add3A_142, %dma_wait3A_147] : memref<819200x16xf32, #tpu.memory_space<hbm>> -> memref<1600x16xf32, #tpu.memory_space<hbm>>
    %dma_wait3A_149 = arith.constant 0 : i32
    %dma_wait3A_150 = tpu.memref_slice %arg4[%add3A_142, %dma_wait3A_149] : memref<819200x16xf32, #tpu.memory_space<hbm>> -> memref<1600x16xf32, #tpu.memory_space<hbm>>
    tpu.wait_dma2 semaphore(%arg12 : memref<!tpu.dma_semaphore, #tpu.memory_space<semaphore_mem>>) src(%arg6 : memref<1600x16xf32, #tpu.memory_space<vmem>>) dst(%dma_wait3A_150 : memref<1600x16xf32, #tpu.memory_space<hbm>>)
    %dma_start3A_151 = arith.constant 14400 : i32
    %dma_start3A_152 = tpu.memref_slice %arg5[%dma_start3A_151] : memref<25600xi32, #tpu.memory_space<vmem>> -> memref<1600xi32, #tpu.memory_space<vmem>>
    %dma_start3A_153 = arith.constant 0 : i32
    %dma_start3A_154 = arith.constant 0 : i32
    %dma_start3A_155 = tpu.memref_slice %arg2[%dma_start3A_153, %dma_start3A_154] : memref<1000000x16xf32, #tpu.memory_space<hbm>> -> memref<1000000x16xf32, #tpu.memory_space<hbm>>
    tpu.enqueue_indirect_dma source(%dma_start3A_155 : memref<1000000x16xf32, #tpu.memory_space<hbm>>) target(%arg6 : memref<1600x16xf32, #tpu.memory_space<vmem>>) offsets(%dma_start3A_152 : memref<1600xi32, #tpu.memory_space<vmem>>) semaphore(%arg9 : memref<!tpu.dma_semaphore, #tpu.memory_space<semaphore_mem>>)
    %dma_wait3A_156 = arith.constant 11200 : i32
    %dma_wait3A_157 = tpu.memref_slice %arg5[%dma_wait3A_156] : memref<25600xi32, #tpu.memory_space<vmem>> -> memref<1600xi32, #tpu.memory_space<vmem>>
    %dma_wait3A_158 = arith.constant 0 : i32
    %dma_wait3A_159 = arith.constant 0 : i32
    %dma_wait3A_160 = tpu.memref_slice %arg2[%dma_wait3A_158, %dma_wait3A_159] : memref<1000000x16xf32, #tpu.memory_space<hbm>> -> memref<1000000x16xf32, #tpu.memory_space<hbm>>
    tpu.wait_indirect_dma semaphore(%arg10 : memref<!tpu.dma_semaphore, #tpu.memory_space<semaphore_mem>>) src(%dma_wait3A_160 : memref<1000000x16xf32, #tpu.memory_space<hbm>>) dst(%arg7 : memref<1600x16xf32, #tpu.memory_space<vmem>>)
    %add3A_161 = arith.constant 11200 : i32
    %add3A_162 = arith.addi %mul3A_2, %add3A_161 : i32
    %dma_start3A_163 = arith.constant 0 : i32
    %dma_start3A_164 = tpu.memref_slice %arg4[%add3A_162, %dma_start3A_163] : memref<819200x16xf32, #tpu.memory_space<hbm>> -> memref<1600x16xf32, #tpu.memory_space<hbm>>
    %dma_start3A_165 = arith.constant 0 : i32
    %dma_start3A_166 = tpu.memref_slice %arg4[%add3A_162, %dma_start3A_165] : memref<819200x16xf32, #tpu.memory_space<hbm>> -> memref<1600x16xf32, #tpu.memory_space<hbm>>
    tpu.enqueue_dma source(%arg7 : memref<1600x16xf32, #tpu.memory_space<vmem>>) target(%dma_start3A_166 : memref<1600x16xf32, #tpu.memory_space<hbm>>) target_semaphore(%arg13 : memref<!tpu.dma_semaphore, #tpu.memory_space<semaphore_mem>>)
    %dma_wait3A_167 = arith.constant 0 : i32
    %dma_wait3A_168 = tpu.memref_slice %arg4[%add3A_162, %dma_wait3A_167] : memref<819200x16xf32, #tpu.memory_space<hbm>> -> memref<1600x16xf32, #tpu.memory_space<hbm>>
    %dma_wait3A_169 = arith.constant 0 : i32
    %dma_wait3A_170 = tpu.memref_slice %arg4[%add3A_162, %dma_wait3A_169] : memref<819200x16xf32, #tpu.memory_space<hbm>> -> memref<1600x16xf32, #tpu.memory_space<hbm>>
    tpu.wait_dma2 semaphore(%arg13 : memref<!tpu.dma_semaphore, #tpu.memory_space<semaphore_mem>>) src(%arg7 : memref<1600x16xf32, #tpu.memory_space<vmem>>) dst(%dma_wait3A_170 : memref<1600x16xf32, #tpu.memory_space<hbm>>)
    %dma_start3A_171 = arith.constant 16000 : i32
    %dma_start3A_172 = tpu.memref_slice %arg5[%dma_start3A_171] : memref<25600xi32, #tpu.memory_space<vmem>> -> memref<1600xi32, #tpu.memory_space<vmem>>
    %dma_start3A_173 = arith.constant 0 : i32
    %dma_start3A_174 = arith.constant 0 : i32
    %dma_start3A_175 = tpu.memref_slice %arg2[%dma_start3A_173, %dma_start3A_174] : memref<1000000x16xf32, #tpu.memory_space<hbm>> -> memref<1000000x16xf32, #tpu.memory_space<hbm>>
    tpu.enqueue_indirect_dma source(%dma_start3A_175 : memref<1000000x16xf32, #tpu.memory_space<hbm>>) target(%arg7 : memref<1600x16xf32, #tpu.memory_space<vmem>>) offsets(%dma_start3A_172 : memref<1600xi32, #tpu.memory_space<vmem>>) semaphore(%arg10 : memref<!tpu.dma_semaphore, #tpu.memory_space<semaphore_mem>>)
    %dma_wait3A_176 = arith.constant 12800 : i32
    %dma_wait3A_177 = tpu.memref_slice %arg5[%dma_wait3A_176] : memref<25600xi32, #tpu.memory_space<vmem>> -> memref<1600xi32, #tpu.memory_space<vmem>>
    %dma_wait3A_178 = arith.constant 0 : i32
    %dma_wait3A_179 = arith.constant 0 : i32
    %dma_wait3A_180 = tpu.memref_slice %arg2[%dma_wait3A_178, %dma_wait3A_179] : memref<1000000x16xf32, #tpu.memory_space<hbm>> -> memref<1000000x16xf32, #tpu.memory_space<hbm>>
    tpu.wait_indirect_dma semaphore(%arg11 : memref<!tpu.dma_semaphore, #tpu.memory_space<semaphore_mem>>) src(%dma_wait3A_180 : memref<1000000x16xf32, #tpu.memory_space<hbm>>) dst(%arg8 : memref<1600x16xf32, #tpu.memory_space<vmem>>)
    %add3A_181 = arith.constant 12800 : i32
    %add3A_182 = arith.addi %mul3A_2, %add3A_181 : i32
    %dma_start3A_183 = arith.constant 0 : i32
    %dma_start3A_184 = tpu.memref_slice %arg4[%add3A_182, %dma_start3A_183] : memref<819200x16xf32, #tpu.memory_space<hbm>> -> memref<1600x16xf32, #tpu.memory_space<hbm>>
    %dma_start3A_185 = arith.constant 0 : i32
    %dma_start3A_186 = tpu.memref_slice %arg4[%add3A_182, %dma_start3A_185] : memref<819200x16xf32, #tpu.memory_space<hbm>> -> memref<1600x16xf32, #tpu.memory_space<hbm>>
    tpu.enqueue_dma source(%arg8 : memref<1600x16xf32, #tpu.memory_space<vmem>>) target(%dma_start3A_186 : memref<1600x16xf32, #tpu.memory_space<hbm>>) target_semaphore(%arg14 : memref<!tpu.dma_semaphore, #tpu.memory_space<semaphore_mem>>)
    %dma_wait3A_187 = arith.constant 0 : i32
    %dma_wait3A_188 = tpu.memref_slice %arg4[%add3A_182, %dma_wait3A_187] : memref<819200x16xf32, #tpu.memory_space<hbm>> -> memref<1600x16xf32, #tpu.memory_space<hbm>>
    %dma_wait3A_189 = arith.constant 0 : i32
    %dma_wait3A_190 = tpu.memref_slice %arg4[%add3A_182, %dma_wait3A_189] : memref<819200x16xf32, #tpu.memory_space<hbm>> -> memref<1600x16xf32, #tpu.memory_space<hbm>>
    tpu.wait_dma2 semaphore(%arg14 : memref<!tpu.dma_semaphore, #tpu.memory_space<semaphore_mem>>) src(%arg8 : memref<1600x16xf32, #tpu.memory_space<vmem>>) dst(%dma_wait3A_190 : memref<1600x16xf32, #tpu.memory_space<hbm>>)
    %dma_start3A_191 = arith.constant 17600 : i32
    %dma_start3A_192 = tpu.memref_slice %arg5[%dma_start3A_191] : memref<25600xi32, #tpu.memory_space<vmem>> -> memref<1600xi32, #tpu.memory_space<vmem>>
    %dma_start3A_193 = arith.constant 0 : i32
    %dma_start3A_194 = arith.constant 0 : i32
    %dma_start3A_195 = tpu.memref_slice %arg2[%dma_start3A_193, %dma_start3A_194] : memref<1000000x16xf32, #tpu.memory_space<hbm>> -> memref<1000000x16xf32, #tpu.memory_space<hbm>>
    tpu.enqueue_indirect_dma source(%dma_start3A_195 : memref<1000000x16xf32, #tpu.memory_space<hbm>>) target(%arg8 : memref<1600x16xf32, #tpu.memory_space<vmem>>) offsets(%dma_start3A_192 : memref<1600xi32, #tpu.memory_space<vmem>>) semaphore(%arg11 : memref<!tpu.dma_semaphore, #tpu.memory_space<semaphore_mem>>)
    %dma_wait3A_196 = arith.constant 14400 : i32
    %dma_wait3A_197 = tpu.memref_slice %arg5[%dma_wait3A_196] : memref<25600xi32, #tpu.memory_space<vmem>> -> memref<1600xi32, #tpu.memory_space<vmem>>
    %dma_wait3A_198 = arith.constant 0 : i32
    %dma_wait3A_199 = arith.constant 0 : i32
    %dma_wait3A_200 = tpu.memref_slice %arg2[%dma_wait3A_198, %dma_wait3A_199] : memref<1000000x16xf32, #tpu.memory_space<hbm>> -> memref<1000000x16xf32, #tpu.memory_space<hbm>>
    tpu.wait_indirect_dma semaphore(%arg9 : memref<!tpu.dma_semaphore, #tpu.memory_space<semaphore_mem>>) src(%dma_wait3A_200 : memref<1000000x16xf32, #tpu.memory_space<hbm>>) dst(%arg6 : memref<1600x16xf32, #tpu.memory_space<vmem>>)
    %add3A_201 = arith.constant 14400 : i32
    %add3A_202 = arith.addi %mul3A_2, %add3A_201 : i32
    %dma_start3A_203 = arith.constant 0 : i32
    %dma_start3A_204 = tpu.memref_slice %arg4[%add3A_202, %dma_start3A_203] : memref<819200x16xf32, #tpu.memory_space<hbm>> -> memref<1600x16xf32, #tpu.memory_space<hbm>>
    %dma_start3A_205 = arith.constant 0 : i32
    %dma_start3A_206 = tpu.memref_slice %arg4[%add3A_202, %dma_start3A_205] : memref<819200x16xf32, #tpu.memory_space<hbm>> -> memref<1600x16xf32, #tpu.memory_space<hbm>>
    tpu.enqueue_dma source(%arg6 : memref<1600x16xf32, #tpu.memory_space<vmem>>) target(%dma_start3A_206 : memref<1600x16xf32, #tpu.memory_space<hbm>>) target_semaphore(%arg12 : memref<!tpu.dma_semaphore, #tpu.memory_space<semaphore_mem>>)
    %dma_wait3A_207 = arith.constant 0 : i32
    %dma_wait3A_208 = tpu.memref_slice %arg4[%add3A_202, %dma_wait3A_207] : memref<819200x16xf32, #tpu.memory_space<hbm>> -> memref<1600x16xf32, #tpu.memory_space<hbm>>
    %dma_wait3A_209 = arith.constant 0 : i32
    %dma_wait3A_210 = tpu.memref_slice %arg4[%add3A_202, %dma_wait3A_209] : memref<819200x16xf32, #tpu.memory_space<hbm>> -> memref<1600x16xf32, #tpu.memory_space<hbm>>
    tpu.wait_dma2 semaphore(%arg12 : memref<!tpu.dma_semaphore, #tpu.memory_space<semaphore_mem>>) src(%arg6 : memref<1600x16xf32, #tpu.memory_space<vmem>>) dst(%dma_wait3A_210 : memref<1600x16xf32, #tpu.memory_space<hbm>>)
    %dma_start3A_211 = arith.constant 19200 : i32
    %dma_start3A_212 = tpu.memref_slice %arg5[%dma_start3A_211] : memref<25600xi32, #tpu.memory_space<vmem>> -> memref<1600xi32, #tpu.memory_space<vmem>>
    %dma_start3A_213 = arith.constant 0 : i32
    %dma_start3A_214 = arith.constant 0 : i32
    %dma_start3A_215 = tpu.memref_slice %arg2[%dma_start3A_213, %dma_start3A_214] : memref<1000000x16xf32, #tpu.memory_space<hbm>> -> memref<1000000x16xf32, #tpu.memory_space<hbm>>
    tpu.enqueue_indirect_dma source(%dma_start3A_215 : memref<1000000x16xf32, #tpu.memory_space<hbm>>) target(%arg6 : memref<1600x16xf32, #tpu.memory_space<vmem>>) offsets(%dma_start3A_212 : memref<1600xi32, #tpu.memory_space<vmem>>) semaphore(%arg9 : memref<!tpu.dma_semaphore, #tpu.memory_space<semaphore_mem>>)
    %dma_wait3A_216 = arith.constant 16000 : i32
    %dma_wait3A_217 = tpu.memref_slice %arg5[%dma_wait3A_216] : memref<25600xi32, #tpu.memory_space<vmem>> -> memref<1600xi32, #tpu.memory_space<vmem>>
    %dma_wait3A_218 = arith.constant 0 : i32
    %dma_wait3A_219 = arith.constant 0 : i32
    %dma_wait3A_220 = tpu.memref_slice %arg2[%dma_wait3A_218, %dma_wait3A_219] : memref<1000000x16xf32, #tpu.memory_space<hbm>> -> memref<1000000x16xf32, #tpu.memory_space<hbm>>
    tpu.wait_indirect_dma semaphore(%arg10 : memref<!tpu.dma_semaphore, #tpu.memory_space<semaphore_mem>>) src(%dma_wait3A_220 : memref<1000000x16xf32, #tpu.memory_space<hbm>>) dst(%arg7 : memref<1600x16xf32, #tpu.memory_space<vmem>>)
    %add3A_221 = arith.constant 16000 : i32
    %add3A_222 = arith.addi %mul3A_2, %add3A_221 : i32
    %dma_start3A_223 = arith.constant 0 : i32
    %dma_start3A_224 = tpu.memref_slice %arg4[%add3A_222, %dma_start3A_223] : memref<819200x16xf32, #tpu.memory_space<hbm>> -> memref<1600x16xf32, #tpu.memory_space<hbm>>
    %dma_start3A_225 = arith.constant 0 : i32
    %dma_start3A_226 = tpu.memref_slice %arg4[%add3A_222, %dma_start3A_225] : memref<819200x16xf32, #tpu.memory_space<hbm>> -> memref<1600x16xf32, #tpu.memory_space<hbm>>
    tpu.enqueue_dma source(%arg7 : memref<1600x16xf32, #tpu.memory_space<vmem>>) target(%dma_start3A_226 : memref<1600x16xf32, #tpu.memory_space<hbm>>) target_semaphore(%arg13 : memref<!tpu.dma_semaphore, #tpu.memory_space<semaphore_mem>>)
    %dma_wait3A_227 = arith.constant 0 : i32
    %dma_wait3A_228 = tpu.memref_slice %arg4[%add3A_222, %dma_wait3A_227] : memref<819200x16xf32, #tpu.memory_space<hbm>> -> memref<1600x16xf32, #tpu.memory_space<hbm>>
    %dma_wait3A_229 = arith.constant 0 : i32
    %dma_wait3A_230 = tpu.memref_slice %arg4[%add3A_222, %dma_wait3A_229] : memref<819200x16xf32, #tpu.memory_space<hbm>> -> memref<1600x16xf32, #tpu.memory_space<hbm>>
    tpu.wait_dma2 semaphore(%arg13 : memref<!tpu.dma_semaphore, #tpu.memory_space<semaphore_mem>>) src(%arg7 : memref<1600x16xf32, #tpu.memory_space<vmem>>) dst(%dma_wait3A_230 : memref<1600x16xf32, #tpu.memory_space<hbm>>)
    %dma_start3A_231 = arith.constant 20800 : i32
    %dma_start3A_232 = tpu.memref_slice %arg5[%dma_start3A_231] : memref<25600xi32, #tpu.memory_space<vmem>> -> memref<1600xi32, #tpu.memory_space<vmem>>
    %dma_start3A_233 = arith.constant 0 : i32
    %dma_start3A_234 = arith.constant 0 : i32
    %dma_start3A_235 = tpu.memref_slice %arg2[%dma_start3A_233, %dma_start3A_234] : memref<1000000x16xf32, #tpu.memory_space<hbm>> -> memref<1000000x16xf32, #tpu.memory_space<hbm>>
    tpu.enqueue_indirect_dma source(%dma_start3A_235 : memref<1000000x16xf32, #tpu.memory_space<hbm>>) target(%arg7 : memref<1600x16xf32, #tpu.memory_space<vmem>>) offsets(%dma_start3A_232 : memref<1600xi32, #tpu.memory_space<vmem>>) semaphore(%arg10 : memref<!tpu.dma_semaphore, #tpu.memory_space<semaphore_mem>>)
    %dma_wait3A_236 = arith.constant 17600 : i32
    %dma_wait3A_237 = tpu.memref_slice %arg5[%dma_wait3A_236] : memref<25600xi32, #tpu.memory_space<vmem>> -> memref<1600xi32, #tpu.memory_space<vmem>>
    %dma_wait3A_238 = arith.constant 0 : i32
    %dma_wait3A_239 = arith.constant 0 : i32
    %dma_wait3A_240 = tpu.memref_slice %arg2[%dma_wait3A_238, %dma_wait3A_239] : memref<1000000x16xf32, #tpu.memory_space<hbm>> -> memref<1000000x16xf32, #tpu.memory_space<hbm>>
    tpu.wait_indirect_dma semaphore(%arg11 : memref<!tpu.dma_semaphore, #tpu.memory_space<semaphore_mem>>) src(%dma_wait3A_240 : memref<1000000x16xf32, #tpu.memory_space<hbm>>) dst(%arg8 : memref<1600x16xf32, #tpu.memory_space<vmem>>)
    %add3A_241 = arith.constant 17600 : i32
    %add3A_242 = arith.addi %mul3A_2, %add3A_241 : i32
    %dma_start3A_243 = arith.constant 0 : i32
    %dma_start3A_244 = tpu.memref_slice %arg4[%add3A_242, %dma_start3A_243] : memref<819200x16xf32, #tpu.memory_space<hbm>> -> memref<1600x16xf32, #tpu.memory_space<hbm>>
    %dma_start3A_245 = arith.constant 0 : i32
    %dma_start3A_246 = tpu.memref_slice %arg4[%add3A_242, %dma_start3A_245] : memref<819200x16xf32, #tpu.memory_space<hbm>> -> memref<1600x16xf32, #tpu.memory_space<hbm>>
    tpu.enqueue_dma source(%arg8 : memref<1600x16xf32, #tpu.memory_space<vmem>>) target(%dma_start3A_246 : memref<1600x16xf32, #tpu.memory_space<hbm>>) target_semaphore(%arg14 : memref<!tpu.dma_semaphore, #tpu.memory_space<semaphore_mem>>)
    %dma_wait3A_247 = arith.constant 0 : i32
    %dma_wait3A_248 = tpu.memref_slice %arg4[%add3A_242, %dma_wait3A_247] : memref<819200x16xf32, #tpu.memory_space<hbm>> -> memref<1600x16xf32, #tpu.memory_space<hbm>>
    %dma_wait3A_249 = arith.constant 0 : i32
    %dma_wait3A_250 = tpu.memref_slice %arg4[%add3A_242, %dma_wait3A_249] : memref<819200x16xf32, #tpu.memory_space<hbm>> -> memref<1600x16xf32, #tpu.memory_space<hbm>>
    tpu.wait_dma2 semaphore(%arg14 : memref<!tpu.dma_semaphore, #tpu.memory_space<semaphore_mem>>) src(%arg8 : memref<1600x16xf32, #tpu.memory_space<vmem>>) dst(%dma_wait3A_250 : memref<1600x16xf32, #tpu.memory_space<hbm>>)
    %dma_start3A_251 = arith.constant 22400 : i32
    %dma_start3A_252 = tpu.memref_slice %arg5[%dma_start3A_251] : memref<25600xi32, #tpu.memory_space<vmem>> -> memref<1600xi32, #tpu.memory_space<vmem>>
    %dma_start3A_253 = arith.constant 0 : i32
    %dma_start3A_254 = arith.constant 0 : i32
    %dma_start3A_255 = tpu.memref_slice %arg2[%dma_start3A_253, %dma_start3A_254] : memref<1000000x16xf32, #tpu.memory_space<hbm>> -> memref<1000000x16xf32, #tpu.memory_space<hbm>>
    tpu.enqueue_indirect_dma source(%dma_start3A_255 : memref<1000000x16xf32, #tpu.memory_space<hbm>>) target(%arg8 : memref<1600x16xf32, #tpu.memory_space<vmem>>) offsets(%dma_start3A_252 : memref<1600xi32, #tpu.memory_space<vmem>>) semaphore(%arg11 : memref<!tpu.dma_semaphore, #tpu.memory_space<semaphore_mem>>)
    %dma_wait3A_256 = arith.constant 19200 : i32
    %dma_wait3A_257 = tpu.memref_slice %arg5[%dma_wait3A_256] : memref<25600xi32, #tpu.memory_space<vmem>> -> memref<1600xi32, #tpu.memory_space<vmem>>
    %dma_wait3A_258 = arith.constant 0 : i32
    %dma_wait3A_259 = arith.constant 0 : i32
    %dma_wait3A_260 = tpu.memref_slice %arg2[%dma_wait3A_258, %dma_wait3A_259] : memref<1000000x16xf32, #tpu.memory_space<hbm>> -> memref<1000000x16xf32, #tpu.memory_space<hbm>>
    tpu.wait_indirect_dma semaphore(%arg9 : memref<!tpu.dma_semaphore, #tpu.memory_space<semaphore_mem>>) src(%dma_wait3A_260 : memref<1000000x16xf32, #tpu.memory_space<hbm>>) dst(%arg6 : memref<1600x16xf32, #tpu.memory_space<vmem>>)
    %add3A_261 = arith.constant 19200 : i32
    %add3A_262 = arith.addi %mul3A_2, %add3A_261 : i32
    %dma_start3A_263 = arith.constant 0 : i32
    %dma_start3A_264 = tpu.memref_slice %arg4[%add3A_262, %dma_start3A_263] : memref<819200x16xf32, #tpu.memory_space<hbm>> -> memref<1600x16xf32, #tpu.memory_space<hbm>>
    %dma_start3A_265 = arith.constant 0 : i32
    %dma_start3A_266 = tpu.memref_slice %arg4[%add3A_262, %dma_start3A_265] : memref<819200x16xf32, #tpu.memory_space<hbm>> -> memref<1600x16xf32, #tpu.memory_space<hbm>>
    tpu.enqueue_dma source(%arg6 : memref<1600x16xf32, #tpu.memory_space<vmem>>) target(%dma_start3A_266 : memref<1600x16xf32, #tpu.memory_space<hbm>>) target_semaphore(%arg12 : memref<!tpu.dma_semaphore, #tpu.memory_space<semaphore_mem>>)
    %dma_wait3A_267 = arith.constant 0 : i32
    %dma_wait3A_268 = tpu.memref_slice %arg4[%add3A_262, %dma_wait3A_267] : memref<819200x16xf32, #tpu.memory_space<hbm>> -> memref<1600x16xf32, #tpu.memory_space<hbm>>
    %dma_wait3A_269 = arith.constant 0 : i32
    %dma_wait3A_270 = tpu.memref_slice %arg4[%add3A_262, %dma_wait3A_269] : memref<819200x16xf32, #tpu.memory_space<hbm>> -> memref<1600x16xf32, #tpu.memory_space<hbm>>
    tpu.wait_dma2 semaphore(%arg12 : memref<!tpu.dma_semaphore, #tpu.memory_space<semaphore_mem>>) src(%arg6 : memref<1600x16xf32, #tpu.memory_space<vmem>>) dst(%dma_wait3A_270 : memref<1600x16xf32, #tpu.memory_space<hbm>>)
    %dma_start3A_271 = arith.constant 24000 : i32
    %dma_start3A_272 = tpu.memref_slice %arg5[%dma_start3A_271] : memref<25600xi32, #tpu.memory_space<vmem>> -> memref<1600xi32, #tpu.memory_space<vmem>>
    %dma_start3A_273 = arith.constant 0 : i32
    %dma_start3A_274 = arith.constant 0 : i32
    %dma_start3A_275 = tpu.memref_slice %arg2[%dma_start3A_273, %dma_start3A_274] : memref<1000000x16xf32, #tpu.memory_space<hbm>> -> memref<1000000x16xf32, #tpu.memory_space<hbm>>
    tpu.enqueue_indirect_dma source(%dma_start3A_275 : memref<1000000x16xf32, #tpu.memory_space<hbm>>) target(%arg6 : memref<1600x16xf32, #tpu.memory_space<vmem>>) offsets(%dma_start3A_272 : memref<1600xi32, #tpu.memory_space<vmem>>) semaphore(%arg9 : memref<!tpu.dma_semaphore, #tpu.memory_space<semaphore_mem>>)
    %dma_wait3A_276 = arith.constant 20800 : i32
    %dma_wait3A_277 = tpu.memref_slice %arg5[%dma_wait3A_276] : memref<25600xi32, #tpu.memory_space<vmem>> -> memref<1600xi32, #tpu.memory_space<vmem>>
    %dma_wait3A_278 = arith.constant 0 : i32
    %dma_wait3A_279 = arith.constant 0 : i32
    %dma_wait3A_280 = tpu.memref_slice %arg2[%dma_wait3A_278, %dma_wait3A_279] : memref<1000000x16xf32, #tpu.memory_space<hbm>> -> memref<1000000x16xf32, #tpu.memory_space<hbm>>
    tpu.wait_indirect_dma semaphore(%arg10 : memref<!tpu.dma_semaphore, #tpu.memory_space<semaphore_mem>>) src(%dma_wait3A_280 : memref<1000000x16xf32, #tpu.memory_space<hbm>>) dst(%arg7 : memref<1600x16xf32, #tpu.memory_space<vmem>>)
    %add3A_281 = arith.constant 20800 : i32
    %add3A_282 = arith.addi %mul3A_2, %add3A_281 : i32
    %dma_start3A_283 = arith.constant 0 : i32
    %dma_start3A_284 = tpu.memref_slice %arg4[%add3A_282, %dma_start3A_283] : memref<819200x16xf32, #tpu.memory_space<hbm>> -> memref<1600x16xf32, #tpu.memory_space<hbm>>
    %dma_start3A_285 = arith.constant 0 : i32
    %dma_start3A_286 = tpu.memref_slice %arg4[%add3A_282, %dma_start3A_285] : memref<819200x16xf32, #tpu.memory_space<hbm>> -> memref<1600x16xf32, #tpu.memory_space<hbm>>
    tpu.enqueue_dma source(%arg7 : memref<1600x16xf32, #tpu.memory_space<vmem>>) target(%dma_start3A_286 : memref<1600x16xf32, #tpu.memory_space<hbm>>) target_semaphore(%arg13 : memref<!tpu.dma_semaphore, #tpu.memory_space<semaphore_mem>>)
    %dma_wait3A_287 = arith.constant 22400 : i32
    %dma_wait3A_288 = tpu.memref_slice %arg5[%dma_wait3A_287] : memref<25600xi32, #tpu.memory_space<vmem>> -> memref<1600xi32, #tpu.memory_space<vmem>>
    %dma_wait3A_289 = arith.constant 0 : i32
    %dma_wait3A_290 = arith.constant 0 : i32
    %dma_wait3A_291 = tpu.memref_slice %arg2[%dma_wait3A_289, %dma_wait3A_290] : memref<1000000x16xf32, #tpu.memory_space<hbm>> -> memref<1000000x16xf32, #tpu.memory_space<hbm>>
    tpu.wait_indirect_dma semaphore(%arg11 : memref<!tpu.dma_semaphore, #tpu.memory_space<semaphore_mem>>) src(%dma_wait3A_291 : memref<1000000x16xf32, #tpu.memory_space<hbm>>) dst(%arg8 : memref<1600x16xf32, #tpu.memory_space<vmem>>)
    %add3A_292 = arith.constant 22400 : i32
    %add3A_293 = arith.addi %mul3A_2, %add3A_292 : i32
    %dma_start3A_294 = arith.constant 0 : i32
    %dma_start3A_295 = tpu.memref_slice %arg4[%add3A_293, %dma_start3A_294] : memref<819200x16xf32, #tpu.memory_space<hbm>> -> memref<1600x16xf32, #tpu.memory_space<hbm>>
    %dma_start3A_296 = arith.constant 0 : i32
    %dma_start3A_297 = tpu.memref_slice %arg4[%add3A_293, %dma_start3A_296] : memref<819200x16xf32, #tpu.memory_space<hbm>> -> memref<1600x16xf32, #tpu.memory_space<hbm>>
    tpu.enqueue_dma source(%arg8 : memref<1600x16xf32, #tpu.memory_space<vmem>>) target(%dma_start3A_297 : memref<1600x16xf32, #tpu.memory_space<hbm>>) target_semaphore(%arg14 : memref<!tpu.dma_semaphore, #tpu.memory_space<semaphore_mem>>)
    %dma_wait3A_298 = arith.constant 24000 : i32
    %dma_wait3A_299 = tpu.memref_slice %arg5[%dma_wait3A_298] : memref<25600xi32, #tpu.memory_space<vmem>> -> memref<1600xi32, #tpu.memory_space<vmem>>
    %dma_wait3A_300 = arith.constant 0 : i32
    %dma_wait3A_301 = arith.constant 0 : i32
    %dma_wait3A_302 = tpu.memref_slice %arg2[%dma_wait3A_300, %dma_wait3A_301] : memref<1000000x16xf32, #tpu.memory_space<hbm>> -> memref<1000000x16xf32, #tpu.memory_space<hbm>>
    tpu.wait_indirect_dma semaphore(%arg9 : memref<!tpu.dma_semaphore, #tpu.memory_space<semaphore_mem>>) src(%dma_wait3A_302 : memref<1000000x16xf32, #tpu.memory_space<hbm>>) dst(%arg6 : memref<1600x16xf32, #tpu.memory_space<vmem>>)
    %add3A_303 = arith.constant 24000 : i32
    %add3A_304 = arith.addi %mul3A_2, %add3A_303 : i32
    %dma_start3A_305 = arith.constant 0 : i32
    %dma_start3A_306 = tpu.memref_slice %arg4[%add3A_304, %dma_start3A_305] : memref<819200x16xf32, #tpu.memory_space<hbm>> -> memref<1600x16xf32, #tpu.memory_space<hbm>>
    %dma_start3A_307 = arith.constant 0 : i32
    %dma_start3A_308 = tpu.memref_slice %arg4[%add3A_304, %dma_start3A_307] : memref<819200x16xf32, #tpu.memory_space<hbm>> -> memref<1600x16xf32, #tpu.memory_space<hbm>>
    tpu.enqueue_dma source(%arg6 : memref<1600x16xf32, #tpu.memory_space<vmem>>) target(%dma_start3A_308 : memref<1600x16xf32, #tpu.memory_space<hbm>>) target_semaphore(%arg12 : memref<!tpu.dma_semaphore, #tpu.memory_space<semaphore_mem>>)
    %dma_wait3A_309 = arith.constant 0 : i32
    %dma_wait3A_310 = tpu.memref_slice %arg4[%add3A_282, %dma_wait3A_309] : memref<819200x16xf32, #tpu.memory_space<hbm>> -> memref<1600x16xf32, #tpu.memory_space<hbm>>
    %dma_wait3A_311 = arith.constant 0 : i32
    %dma_wait3A_312 = tpu.memref_slice %arg4[%add3A_282, %dma_wait3A_311] : memref<819200x16xf32, #tpu.memory_space<hbm>> -> memref<1600x16xf32, #tpu.memory_space<hbm>>
    tpu.wait_dma2 semaphore(%arg13 : memref<!tpu.dma_semaphore, #tpu.memory_space<semaphore_mem>>) src(%arg7 : memref<1600x16xf32, #tpu.memory_space<vmem>>) dst(%dma_wait3A_312 : memref<1600x16xf32, #tpu.memory_space<hbm>>)
    %dma_wait3A_313 = arith.constant 0 : i32
    %dma_wait3A_314 = tpu.memref_slice %arg4[%add3A_293, %dma_wait3A_313] : memref<819200x16xf32, #tpu.memory_space<hbm>> -> memref<1600x16xf32, #tpu.memory_space<hbm>>
    %dma_wait3A_315 = arith.constant 0 : i32
    %dma_wait3A_316 = tpu.memref_slice %arg4[%add3A_293, %dma_wait3A_315] : memref<819200x16xf32, #tpu.memory_space<hbm>> -> memref<1600x16xf32, #tpu.memory_space<hbm>>
    tpu.wait_dma2 semaphore(%arg14 : memref<!tpu.dma_semaphore, #tpu.memory_space<semaphore_mem>>) src(%arg8 : memref<1600x16xf32, #tpu.memory_space<vmem>>) dst(%dma_wait3A_316 : memref<1600x16xf32, #tpu.memory_space<hbm>>)
    %dma_wait3A_317 = arith.constant 0 : i32
    %dma_wait3A_318 = tpu.memref_slice %arg4[%add3A_304, %dma_wait3A_317] : memref<819200x16xf32, #tpu.memory_space<hbm>> -> memref<1600x16xf32, #tpu.memory_space<hbm>>
    %dma_wait3A_319 = arith.constant 0 : i32
    %dma_wait3A_320 = tpu.memref_slice %arg4[%add3A_304, %dma_wait3A_319] : memref<819200x16xf32, #tpu.memory_space<hbm>> -> memref<1600x16xf32, #tpu.memory_space<hbm>>
    tpu.wait_dma2 semaphore(%arg12 : memref<!tpu.dma_semaphore, #tpu.memory_space<semaphore_mem>>) src(%arg6 : memref<1600x16xf32, #tpu.memory_space<vmem>>) dst(%dma_wait3A_320 : memref<1600x16xf32, #tpu.memory_space<hbm>>)
    return
  }
}

module attributes {stable_mosaic.version = 14 : i64} {
  func.func @_dequant_body(%arg0: i32, %arg1: memref<5000x128xi8, #tpu.memory_space<vmem>>, %arg2: memref<5000x8xf32, #tpu.memory_space<vmem>>, %arg3: memref<5000x128xf32, #tpu.memory_space<vmem>>) attributes {dimension_semantics = [#tpu.dimension_semantics<arbitrary>], iteration_bounds = array<i64: 25>, scalar_prefetch = 0 : i64, scratch_operands = 0 : i64, tpu.core_type = #tpu.core_type<tc>, window_params = [{transform_indices = @transform_0, window_bounds = array<i64: 5000, 128>}, {transform_indices = @transform_1, window_bounds = array<i64: 5000, 8>}, {transform_indices = @transform_2, window_bounds = array<i64: 5000, 128>}]} {
    %iota3A = tpu.iota {dimensions = array<i32: 0>} : vector<8x128xi32>
    %iota3A_0 = tpu.iota {dimensions = array<i32: 1>} : vector<8x128xi32>
    %jit3A = arith.constant 16 : i32
    %div3A = vector.broadcast %jit3A : i32 to vector<8x128xi32>
    %div3A_1 = arith.divsi %iota3A_0, %div3A : vector<8x128xi32>
    %sign3A = arith.constant 0 : i32
    %sign3A_2 = vector.broadcast %sign3A : i32 to vector<8x128xi32>
    %sign3A_3 = arith.cmpi sgt, %iota3A_0, %sign3A_2 : vector<8x128xi32>
    %sign3A_4 = arith.extui %sign3A_3 : vector<8x128xi1> to vector<8x128xi32>
    %sign3A_5 = arith.constant 0 : i32
    %sign3A_6 = vector.broadcast %sign3A_5 : i32 to vector<8x128xi32>
    %sign3A_7 = arith.cmpi slt, %iota3A_0, %sign3A_6 : vector<8x128xi32>
    %sign3A_8 = arith.extui %sign3A_7 : vector<8x128xi1> to vector<8x128xi32>
    %sign3A_9 = arith.subi %sign3A_4, %sign3A_8 : vector<8x128xi32>
    %sign3A_10 = arith.constant 0 : i32
    %sign3A_11 = arith.cmpi sgt, %jit3A, %sign3A_10 : i32
    %sign3A_12 = arith.extui %sign3A_11 : i1 to i32
    %sign3A_13 = arith.constant 0 : i32
    %sign3A_14 = arith.cmpi slt, %jit3A, %sign3A_13 : i32
    %sign3A_15 = arith.extui %sign3A_14 : i1 to i32
    %sign3A_16 = arith.subi %sign3A_12, %sign3A_15 : i32
    %ne3A = vector.broadcast %sign3A_16 : i32 to vector<8x128xi32>
    %ne3A_17 = arith.cmpi ne, %sign3A_9, %ne3A : vector<8x128xi32>
    %rem3A = vector.broadcast %jit3A : i32 to vector<8x128xi32>
    %rem3A_18 = arith.remsi %iota3A_0, %rem3A : vector<8x128xi32>
    %ne3A_19 = arith.constant 0 : i32
    %ne3A_20 = vector.broadcast %ne3A_19 : i32 to vector<8x128xi32>
    %ne3A_21 = arith.cmpi ne, %rem3A_18, %ne3A_20 : vector<8x128xi32>
    %and3A = arith.andi %ne3A_17, %ne3A_21 : vector<8x128xi1>
    %sub3A = arith.constant 1 : i32
    %sub3A_22 = vector.broadcast %sub3A : i32 to vector<8x128xi32>
    %sub3A_23 = arith.subi %div3A_1, %sub3A_22 : vector<8x128xi32>
    %select_n3A = arith.select %and3A, %sub3A_23, %div3A_1 : vector<8x128xi1>, vector<8x128xi32>
    %eq3A = arith.cmpi eq, %select_n3A, %iota3A : vector<8x128xi32>
    %convert_element_type3A = arith.extui %eq3A : vector<8x128xi1> to vector<8x128xi32>
    %convert_element_type3A_24 = arith.sitofp %convert_element_type3A : vector<8x128xi32> to vector<8x128xf32>
    %get3A = arith.constant 0 : index
    %get3A_25 = arith.constant 0 : index
    %get3A_26 = vector.load %arg2[%get3A, %get3A_25] : memref<5000x8xf32, #tpu.memory_space<vmem>>, vector<5000x8xf32>
    %dot_general3A = arith.constant dense<0.000000e+00> : vector<5000x128xf32>
    %dot_general3A_27 = tpu.matmul %get3A_26, %convert_element_type3A_24, %dot_general3A {dimension_numbers = #tpu.dot_dimension_numbers<[1], [0], [0], [1], [0, 0, 1, 1], [], []>, transpose_lhs_hint = false} : vector<5000x8xf32>, vector<8x128xf32>, vector<5000x128xf32> -> vector<5000x128xf32>
    %get3A_28 = arith.constant 0 : index
    %get3A_29 = arith.constant 0 : index
    %get3A_30 = vector.load %arg1[%get3A_28, %get3A_29] : memref<5000x128xi8, #tpu.memory_space<vmem>>, vector<5000x128xi8>
    %convert_element_type3A_31 = arith.sitofp %get3A_30 : vector<5000x128xi8> to vector<5000x128xf32>
    %mul3A = arith.mulf %convert_element_type3A_31, %dot_general3A_27 : vector<5000x128xf32>
    %swap3A = arith.constant 0 : index
    %swap3A_32 = arith.constant 0 : index
    %swap3A_33 = vector.load %arg3[%swap3A, %swap3A_32] : memref<5000x128xf32, #tpu.memory_space<vmem>>, vector<5000x128xf32>
    tpu.vector_store %arg3[%swap3A, %swap3A_32], %mul3A {strides = array<i32>} : memref<5000x128xf32, #tpu.memory_space<vmem>>, vector<5000x128xf32>,
    return
  }
  func.func @transform_0(%arg0: i32) -> (i32, i32) {
    %c0_i32 = arith.constant 0 : i32
    %c0_i32_0 = arith.constant 0 : i32
    return %arg0, %c0_i32 : i32, i32
  }
  func.func @transform_1(%arg0: i32) -> (i32, i32) {
    %c0_i32 = arith.constant 0 : i32
    %c0_i32_0 = arith.constant 0 : i32
    return %arg0, %c0_i32 : i32, i32
  }
  func.func @transform_2(%arg0: i32) -> (i32, i32) {
    %c0_i32 = arith.constant 0 : i32
    %c0_i32_0 = arith.constant 0 : i32
    return %arg0, %c0_i32 : i32, i32
  }
}

</mosaic_0001>

<sc_bundles>
// kernel: kernel.4.cloned.1.call-start
scs
__scs_entry_jumppad:
0x0: {  	(pc) =	sbr.rel $0x88, $3  }
0x1: {  	(tag) =	ssettag $0x0;
	lr =	simm.s32 $0x1  }
0x2: {  	[smem:$0x3F9E] =	sst lr;
	_ =	strace $0xD0000000  }
0x3: {  	_ = 	snop  }
0x4: {  	_ = 	snop  }
0x5: {  	_ = 	snop  }
0x6: {  	_ = 	snop  }
0x7: {  	_ = 	snop  }
__scs_overlays_trampoline_lowered:
0x8: {  	[smem:$0x3FAD] =	sst s0  }
0x9: {  	[smem:$0x3FAE] =	sst s1  }
0xa: {  	[smem:$0x3FAF] =	sst s2  }
0xb: {  	[smem:$0x3FB0] =	sst s3  }
0xc: {  	[smem:$0x3FB1] =	sst s4  }
0xd: {  	[smem:$0x3FB2] =	sst s5  }
0xe: {  	[smem:$0x3FB3] =	sst s6  }
0xf: {  	[smem:$0x3FB4] =	sst s7  }
0x10: {  	[smem:$0x3FB5] =	sst s8  }
0x11: {  	[smem:$0x3FB6] =	sst s9;
	s0 =	simm.s32 @!p0 $0x0  }
0x12: {  	s1 =	sld [smem:$0x3F9C];
	s0 =	simm.s32 @p0 $0x1  }
0x13: {  	[smem:$0x3FB7] =	sst s0;
	s0 =	simm.s32 @!p1 $0x0  }
0x14: {  	s2 =	sld [smem:$0x3F9B];
	s0 =	simm.s32 @p1 $0x1  }
0x15: {  	[smem:$0x3FB8] =	sst s0;
	s0 =	simm.s32 @!p2 $0x0  }
0x16: {  	s3 =	sld [smem:$0x3FDB];
	s0 =	simm.s32 @p2 $0x1  }
0x17: {  	s4 =	simm.s32 $0x1BF5;
	[smem:$0x3FBA] =	sst s0  }
0x18: {  	s0 =	sld [smem:$0x3F9D];
	_ =	swait.ge [sflag:s4], $0x0  }
0x19: {  	s7 =	sld [smem:$0x3F9E]  }
0x1a: {  	s8 =	sadd.s32 $0xFFFFE003, lr  }
0x1b: {  	s9 =	sadd.s32 $0xFFFFFEF7, lr;
	s5 =	simm.s32 $0xFFFFFFFF;
	p2 =	slt.u32 s8, $0xFFFFF086  }
0x1c: {  	p1 =	slt.u32 s9, $0xF7A;
	s5 =	simm.s32 @!p2 $0x0  }
0x1d: {  	s5 =	simm.s32 @p1 $0x1;
	p0 =	seq.s32 s7, s2  }
0x1e: {  	s7 =	smul.u32 @!p0 $0xF7A, s2;
	p2 =	seq.s32 @!p0 s5, $0x0  }
0x1f: {  	s9 =	smul.u32 $0xF7A, s1;
	s8 =	simm.s32 @!p0 $0x1BF5;
	p2 =	por !p2, p0  }
0x20: {  	[sflag:s8] =	ssyncset.s32 @!p0 $0xFFFFF086;
	s6 =	sadd.s32 @!p0 s3, s7;
	s7 =	simm.s32 @!p0 $0x108  }
0x21: {  	s3 =	sadd.s32 s3, s9;
	s6 =	sadd.s32 @!p0 $0x88, s6;
	s7 =	simm.s32 @p2 $0x1082  }
0x22: {  	[simem:s7], [sflag:s8] =	dma.local @!p0 [hbm:s6], $0xF7A  }
0x23: {  	s9 =	sor.u32 $0xD0000000, s2;
	s6 =	simm.s32 $0x108;
	_ =	swait.ge @!p0 [sflag:s8], $0x0  }
0x24: {  	s3 =	sadd.s32 $0x88, s3;
	s6 =	simm.s32 @!p1 $0x1082;
	[sflag:s4] =	ssyncset.s32 $0xFFFFF086  }
0x25: {  	[simem:s6], [sflag:s4] =	dma.local [hbm:s3], $0xF7A  }
0x26: {  	[smem:$0x3F9E] =	sst s1;
	(tag) =	ssettag s2;
	_ =	strace s9  }
0x27: {  	s1 =	sld [smem:$0x3FAE]  }
0x28: {  	s2 =	sld [smem:$0x3FAF]  }
0x29: {  	s4 =	sld [smem:$0x3FB1]  }
0x2a: {  	p0 =	seq.s32 s5, $0x0;
	s5 =	sld [smem:$0x3FB2]  }
0x2b: {  	s6 =	sld [smem:$0x3FB3]  }
0x2c: {  	s7 =	sld [smem:$0x3FB4]  }
0x2d: {  	s3 =	simm.s32 $0x108;
	s8 =	sld [smem:$0x3FB5]  }
0x2e: {  	s3 =	simm.s32 @!p0 $0x1082;
	s9 =	sld [smem:$0x3FB6]  }
0x2f: {  	lr =	sadd.s32 s0, s3;
	s0 =	sld [smem:$0x3FAD]  }
0x30: {  	s3 =	sld [smem:$0x3FB0]  }
0x31: {  	[smem:$0x3FB9] =	sst s10  }
0x32: {  	s10 =	sld [smem:$0x3FB7];
	_ =	sdelay $0x3  }
0x33: {  	p0 =	seq.s32 s10, $0x1;
	s10 =	sld [smem:$0x3FB9];
	_ =	sdelay $0x3  }
0x34: {  	[smem:$0x3FB9] =	sst s10  }
0x35: {  	s10 =	sld [smem:$0x3FB8];
	_ =	sdelay $0x3  }
0x36: {  	p1 =	seq.s32 s10, $0x1;
	s10 =	sld [smem:$0x3FB9];
	_ =	sdelay $0x3  }
0x37: {  	[smem:$0x3FB9] =	sst s10  }
0x38: {  	s10 =	sld [smem:$0x3FBA]  }
0x39: {  	_ = 	snop;
	(pc) =	sbr.ind lr, $3  }
0x3a: {  	_ = 	snop  }
0x3b: {  	_ = 	snop  }
0x3c: {  	p2 =	seq.s32 s10, $0x1;
	s10 =	sld [smem:$0x3FB9]  }
0x3d: {  	_ =	shalt  }
0x3e: {  	_ =	shalt  }
0x3f: {  	_ =	shalt  }
0x40: {  	_ =	shalt  }
0x41: {  	_ =	shalt  }
0x42: {  	_ =	shalt  }
0x43: {  	_ =	shalt  }
0x44: {  	_ =	shalt  }
0x45: {  	_ =	shalt  }
0x46: {  	_ =	shalt  }
0x47: {  	_ =	shalt  }
0x48: {  	_ =	shalt  }
0x49: {  	_ =	shalt  }
0x4a: {  	_ =	shalt  }
0x4b: {  	_ =	shalt  }
0x4c: {  	_ =	shalt  }
0x4d: {  	_ =	shalt  }
0x4e: {  	_ =	shalt  }
0x4f: {  	_ =	shalt  }
0x50: {  	_ =	shalt  }
0x51: {  	_ =	shalt  }
0x52: {  	_ =	shalt  }
0x53: {  	_ =	shalt  }
0x54: {  	_ =	shalt  }
0x55: {  	_ =	shalt  }
0x56: {  	_ =	shalt  }
0x57: {  	_ =	shalt  }
0x58: {  	_ =	shalt  }
0x59: {  	_ =	shalt  }
0x5a: {  	_ =	shalt  }
0x5b: {  	_ =	shalt  }
0x5c: {  	_ =	shalt  }
0x5d: {  	_ =	shalt  }
0x5e: {  	_ =	shalt  }
0x5f: {  	_ =	shalt  }
0x60: {  	_ =	shalt  }
0x61: {  	_ =	shalt  }
0x62: {  	_ =	shalt  }
0x63: {  	_ =	shalt  }
0x64: {  	_ =	shalt  }
0x65: {  	_ =	shalt  }
0x66: {  	_ =	shalt  }
0x67: {  	_ =	shalt  }
0x68: {  	_ =	shalt  }
0x69: {  	_ =	shalt  }
0x6a: {  	_ =	shalt  }
0x6b: {  	_ =	shalt  }
0x6c: {  	_ =	shalt  }
0x6d: {  	_ =	shalt  }
0x6e: {  	_ =	shalt  }
0x6f: {  	_ =	shalt  }
0x70: {  	_ =	shalt  }
0x71: {  	_ =	shalt  }
0x72: {  	_ =	shalt  }
0x73: {  	_ =	shalt  }
0x74: {  	_ =	shalt  }
0x75: {  	_ =	shalt  }
0x76: {  	_ =	shalt  }
0x77: {  	_ =	shalt  }
0x78: {  	_ =	shalt  }
0x79: {  	_ =	shalt  }
0x7a: {  	_ =	shalt  }
0x7b: {  	_ =	shalt  }
0x7c: {  	_ =	shalt  }
0x7d: {  	_ =	shalt  }
0x7e: {  	_ =	shalt  }
0x7f: {  	_ =	shalt  }
0x80: {  	_ =	shalt  }
0x81: {  	_ =	shalt  }
0x82: {  	_ =	shalt  }
0x83: {  	_ =	shalt  }
0x84: {  	_ =	shalt  }
0x85: {  	_ =	shalt  }
0x86: {  	_ =	shalt  }
0x87: {  	_ =	shalt  }
.Lfunc_end0:
.L_simem_size_0:
called_computation.2_lowered:
.L_overlay_start_0:
0x88: {  	s2 =	sld [smem:$0x3FD9]  }
0x89: {  	s3 =	sld [smem:$0x3FFE];
	_ =	sdelay $0x1  }
0x8a: {  	s1 =	srdreg.scid  }
0x8b: {  	s0 =	sand.u32 $0x1, s1  }
0x8c: {  	s17 =	sshll.u32 s0, $0xA;
	s2 =	sadd.s32 s3, s2  }
0x8d: {  	s2 =	sadd.s32 s2, s17  }
0x8e: {  	[smem:$0x3FC5] =	sst s2  }
0x8f: {  	_ = 	snop  }
0x90: {  	s2 =	sld [smem:$0x3FD0];
	(tm) =	ssettm $0x1  }
0x91: {  	s18 =	sld [smem:$0x3FFB];
	_ =	sdelay $0x3  }
0x92: {  	_ =	strace s18  }
0x93: {  	s3 =	sld [smem:$0x3FFC];
	_ =	sdelay $0x3  }
0x94: {  	_ =	strace s3  }
0x95: {  	s3 =	sld [smem:$0x3FFD];
	_ =	sdelay $0x3  }
0x96: {  	_ =	strace s3  }
0x97: {  	_ =	strace $0x8FFFFFFF  }
0x98: {  	s19 =	sld [smem:$0x3FDB];
	_ =	sdelay $0x1  }
0x99: {  	s4 =	simm.s32 $_scs_section_size  }
0x9a: {  	s5 =	simm.s32 $_size__tile_overlayer_lowered;
	s6 =	simm.s32 $_tile_overlayer_lowered  }
0x9b: {  	s22 =	simm.s32 $0x1BFF;
	s21 =	sshll.u32 s6, $0x1;
	s3 =	sadd.s32 s4, s19  }
0x9c: {  	s7 =	simm.s32 $0x0;
	s20 =	sshll.u32 s5, $0x1;
	s5 =	sadd.s32 s21, s3  }
0x9d: {  	[timem:s7], [sflag:s22] =	dma.local [hbm:s5], s20  }
0x9e: {  	_ =	swait.ge [sflag:s22], s20  }
0x9f: {  	s4 =	ssub.s32 $0x0, s20;
	[sflag:s22] =	ssyncset.done $0x0  }
0xa0: {  	[sflag:s22] =	ssyncadd.s32 s4;
	_ =	sdelay $0x1  }
0xa1: {  	s23 =	simm.s32 $0x1B8B  }
0xa2: {  	_ =	swait.ge [sflag:s23], $0x1  }
0xa3: {  	[sflag:s23] =	ssyncset.done $0x0  }
0xa4: {  	s25 =	simm.s32 $0x1B8E;
	s24 =	sld [smem:$0x3FFE];
	[sflag:s23] =	ssyncadd.s32 $0xFFFFFFFF  }
0xa5: {  	s26 =	simm.s32 $execute0_lowered;
	[smem:$0x3FD2] =	sst s25  }
0xa6: {  	s5 =	sshll.u32 s26, $0x1;
	_ =	strace $0x80000046;
	[dreg:$0x1] =	wrdreg $0xFFFFFFFF  }
0xa7: {  	s28 =	simm.s32 $_size_execute0_lowered;
	s3 =	sadd.s32 s3, s5;
	[dreg:$0x0] =	wrdreg $0x0  }
0xa8: {  	s5 =	sshll.u32 s28, $0x1;
	[dreg:$0x2] =	wrdreg s3  }
0xa9: {  	[dreg:$0x3] =	wrdreg s5  }
0xaa: {  	[dreg:$0x4] =	wrdreg $0xC0  }
0xab: {  	_ =	task [dreg:s7], $0x5FFFF  }
0xac: {  	[dreg:$0x1] =	wrdreg $0xFFFFFFFF  }
0xad: {  	[dreg:$0x0] =	wrdreg $0x60  }
0xae: {  	[dreg:$0x2] =	wrdreg s24  }
0xaf: {  	[dreg:$0x3] =	wrdreg s2  }
0xb0: {  	[dreg:$0x4] =	wrdreg $0x9  }
0xb1: {  	_ =	task.clear_ibuf [dreg:s7], $0x5FFFF;
	_ =	strace $0x90000046  }
0xb2: {  	s29 =	simm.s32 $0x9;
	_ =	strace $0x80000048  }
0xb3: {  	_ =	swait.ge [sflag:s29], $0x1  }
0xb4: {  	[sflag:s29] =	ssyncadd.s32 $0xFFFFFFFF  }
0xb5: {  	_ =	strace $0x90000048  }
0xb6: {  	_ =	sfence  }
0xb7: {  	s30 =	sld [smem:$0x0];
	_ =	sdelay $0x2  }
0xb8: {  	s31 =	sshll.u32 s1, $0xD;
	s1 =	sshrl.u32 s1, $0x2  }
0xb9: {  	s3 =	sand.u32 $0x4000, s31;
	s1 =	sadd.s32 s1, s30  }
0xba: {  	s0 =	sor.u32 s3, s0;
	s1 =	sshll.u32 s1, $0x11  }
0xbb: {  	s0 =	sor.u32 s1, s0  }
0xbc: {  	s0 =	sadd.s32 $0x8F2B, s0  }
0xbd: {  	[sflag:s0] =	ssyncadd.remote.s32 $0x1  }
0xbe: {  	_ =	sfence.sel $0xFFFF  }
0xbf: {  	[dreg:$0x0] =	wrdreg $0xFFFFFFFF;
	(pc) =	sbr.abs _section_cstart, $3  }
0xc0: {  	[dreg:$0x1] =	wrdreg $0xFFFFFFFF  }
0xc1: {  	_ =	task.clear_ibuf [dreg:s7], $0x2FFFF;
	_ =	strace $0x9FFFFFFF  }
0xc2: {  	(tm) =	ssettm $0x7FFFFFFF  }
0xc3: {  	_ =	shalt  }
tec
execute0_lowered:
.L_overlay_start_1:
0x0: {  	(tag) =	ssettag $0x1  }
0x1: {  	s0 =	srdreg.scid;
	s1 =	stileid.u32  }
0x2: {  	s3 =	rddreg [dreg:$0x0];
	s0 =	sand.u32 $0x1, s0;
	s1 =	sshll.u32 s1, $0x1  }
0x3: {  	s4 =	rddreg [dreg:$0x1];
	s2 =	simm.s32 $0x0;
	s1 =	sor.u32 s0, s1  }
0x4: {  	s30 =	simm.s32 $0x7;
	s7 =	simm.s32 $0x6400;
	s5 =	smul.u32 $0xC80, s1  }
0x5: {  	s12 =	simm.s32 $0xC800;
	s31 =	simm.s32 $0xC80;
	s6 =	smul.u32 $0x64000, s1  }
0x6: {  	s11 =	simm.s32 $0x12C00;
	[smem:$0x7FF] =	sst s2;
	s1 =	smul.u32 $0xC800, s1  }
0x7: {  	s8 =	simm.s32 $0x1;
	s29 =	simm.s32 $0x12C0;
	_ =	strace $0x80000047  }
0x8: {  	s5 =	sadd.s32 s5, s3;
	s6 =	sshrl.u32 s6, $0x3;
	s1 =	sadd.s32 s4, s1  }
0x9: {  	s5 =	sadd.s32 $0x1C00, s5;
	s4 =	sadd.s32 s4, s6;
	[dreg:$0x4] =	wrdreg s1  }
0xa: {  	s9 =	simm.s32 $0x5;
	[dreg:$0x3] =	wrdreg s5;
	s13 =	sadd.s32 $0xC80, s4  }
0xb: {  	s28 =	simm.s32 $0x1900;
	s14 =	sadd.s32 $0x1900, s4;
	[dreg:$0x5] =	wrdreg s13  }
0xc: {  	s10 =	simm.s32 $0x6;
	s15 =	sadd.s32 $0x2580, s4;
	[dreg:$0x6] =	wrdreg s14  }
0xd: {  	p0 =	por $0x0, $0x0;
	s16 =	sadd.s32 $0x3200, s4;
	[dreg:$0x7] =	wrdreg s15  }
0xe: {  	s0 =	ssub.s32 $0x2, s0;
	s17 =	sadd.s32 $0x3E80, s4;
	[dreg:$0x8] =	wrdreg s16  }
0xf: {  	s24 =	sshrl.u32 s0, $0x1;
	s18 =	sadd.s32 $0x4B00, s4;
	[dreg:$0x9] =	wrdreg s17  }
0x10: {  	s0 =	ssub.s32 s0, s24;
	s19 =	sadd.s32 $0x5780, s4;
	[dreg:$0xa] =	wrdreg s18  }
0x11: {  	s24 =	simm.s32 $0x2BC0;
	s20 =	sadd.s32 $0x6400, s4;
	[dreg:$0xb] =	wrdreg s19  }
0x12: {  	s3 =	sadd.s32 $0x203200, s3;
	s21 =	sadd.s32 $0x7080, s4;
	[dreg:$0xc] =	wrdreg s20  }
0x13: {  	s0 =	smax.u32 s0, $0x1;
	s22 =	sadd.s32 $0x7D00, s4;
	[dreg:$0xd] =	wrdreg s21  }
0x14: {  	p1 =	sne.s32 s0, $0x1;
	s23 =	sadd.s32 $0x8980, s4;
	[dreg:$0xe] =	wrdreg s22  }
0x15: {  	s1 =	sadd.s32 $0xFFFFFFFF, s0;
	s25 =	sadd.s32 $0x9600, s4;
	[dreg:$0xf] =	wrdreg s23  }
0x16: {  	s26 =	sadd.s32 $0xA280, s4;
	s6 =	sadd.s32 $0xAF00, s4;
	[dreg:$0x10] =	wrdreg s25  }
0x17: {  	s4 =	sadd.s32 $0xBB80, s4;
	s5 =	simm.s32 $0x4;
	[dreg:$0x11] =	wrdreg s26  }
.Ltmp0:
0x18: {  	s13 =	simm.s32 $0x640;
	s15 =	simm.s32 $0x2;
	(pc) =	sbr.rel @!p1 .LBB2_3-.Ltmp0, $4  }
0x19: {  	s14 =	simm.s32 $0x3;
	s26 =	simm.s32 $0x1F40;
	s25 =	simm.s32 $0x2580  }
0x1a: {  	s23 =	simm.s32 $0x3200;
	s22 =	simm.s32 $0x3840;
	s21 =	simm.s32 $0x3E80  }
0x1b: {  	s20 =	simm.s32 $0x44C0;
	s19 =	simm.s32 $0x4B00;
	s18 =	simm.s32 $0x5140  }
0x1c: {  	s17 =	simm.s32 $0x5780;
	s16 =	simm.s32 $0x5DC0;
	s0 =	rddreg [dreg:$0x3]  }
0x1d: {  	[tilespmem:s2], [sflag:$0x7] =	stream.linear.gather [hbm4b:s0+s2], $0x6400, $0x38;
	[tilespmem:$0x19000] =	vst v63  }
0x1e: {  	_ =	swait.ge [sflag:s30], $0x6400  }
0x1f: {  	[sflag:s30] =	ssyncset.done $0x0  }
0x20: {  	[sflag:s30] =	ssyncadd.s32 $0xFFFF9C00  }
0x21: {  	[tilespmem:s7], [sflag:$0x1] =	stream.indirect.gather [hbm4b:s3+s13], $0x10, s2, s13, $0xb8;
	[tilespmem:$0x19000] =	vst v63  }
0x22: {  	_ = 	snop  }
0x23: {  	[tilespmem:s12], [sflag:$0x2] =	stream.indirect.gather [hbm4b:s3+s13], $0x10, s13, s13, $0xb8;
	[tilespmem:$0x19000] =	vst v63  }
0x24: {  	_ = 	snop  }
0x25: {  	[tilespmem:s11], [sflag:$0x3] =	stream.indirect.gather [hbm4b:s3+s13], $0x10, s31, s13, $0xb8;
	[tilespmem:$0x19000] =	vst v63  }
0x26: {  	_ =	swait.ge [sflag:s8], $0x6400  }
0x27: {  	[sflag:s8] =	ssyncset.done $0x0  }
0x28: {  	s0 =	rddreg [dreg:$0x4];
	[sflag:s8] =	ssyncadd.s32 $0xFFFF9C00  }
0x29: {  	[hbm4b:s0+s2] =	stream.linear.scatter [tilespmem:s7], [sflag:$0x4], $0x6400, $0x38;
	[tilespmem:$0x19000] =	vst v63  }
0x2a: {  	_ =	swait.ge [sflag:s5], $0x6400  }
0x2b: {  	[sflag:s5] =	ssyncset.done $0x0  }
0x2c: {  	[sflag:s5] =	ssyncadd.s32 $0xFFFF9C00  }
0x2d: {  	[tilespmem:s7], [sflag:$0x1] =	stream.indirect.gather [hbm4b:s3+s13], $0x10, s29, s13, $0xb8;
	[tilespmem:$0x19000] =	vst v63  }
0x2e: {  	_ =	swait.ge [sflag:s15], $0x6400  }
0x2f: {  	[sflag:s15] =	ssyncset.done $0x0  }
0x30: {  	s0 =	rddreg [dreg:$0x5];
	[sflag:s15] =	ssyncadd.s32 $0xFFFF9C00  }
0x31: {  	[hbm4b:s0+s2] =	stream.linear.scatter [tilespmem:s12], [sflag:$0x5], $0x6400, $0x38;
	[tilespmem:$0x19000] =	vst v63  }
0x32: {  	_ =	swait.ge [sflag:s9], $0x6400  }
0x33: {  	[sflag:s9] =	ssyncset.done $0x0  }
0x34: {  	[sflag:s9] =	ssyncadd.s32 $0xFFFF9C00  }
0x35: {  	[tilespmem:s12], [sflag:$0x2] =	stream.indirect.gather [hbm4b:s3+s13], $0x10, s28, s13, $0xb8;
	[tilespmem:$0x19000] =	vst v63  }
0x36: {  	_ =	swait.ge [sflag:s14], $0x6400  }
0x37: {  	[sflag:s14] =	ssyncset.done $0x0  }
0x38: {  	s0 =	rddreg [dreg:$0x6];
	[sflag:s14] =	ssyncadd.s32 $0xFFFF9C00  }
0x39: {  	[hbm4b:s0+s2] =	stream.linear.scatter [tilespmem:s11], [sflag:$0x6], $0x6400, $0x38;
	[tilespmem:$0x19000] =	vst v63  }
0x3a: {  	_ =	swait.ge [sflag:s10], $0x6400  }
0x3b: {  	[sflag:s10] =	ssyncset.done $0x0  }
0x3c: {  	[sflag:s10] =	ssyncadd.s32 $0xFFFF9C00  }
0x3d: {  	[tilespmem:s11], [sflag:$0x3] =	stream.indirect.gather [hbm4b:s3+s13], $0x10, s26, s13, $0xb8;
	[tilespmem:$0x19000] =	vst v63  }
0x3e: {  	_ =	swait.ge [sflag:s8], $0x6400  }
0x3f: {  	[sflag:s8] =	ssyncset.done $0x0  }
0x40: {  	s0 =	rddreg [dreg:$0x7];
	[sflag:s8] =	ssyncadd.s32 $0xFFFF9C00  }
0x41: {  	[hbm4b:s0+s2] =	stream.linear.scatter [tilespmem:s7], [sflag:$0x4], $0x6400, $0x38;
	[tilespmem:$0x19000] =	vst v63  }
0x42: {  	_ =	swait.ge [sflag:s5], $0x6400  }
0x43: {  	[sflag:s5] =	ssyncset.done $0x0  }
0x44: {  	[sflag:s5] =	ssyncadd.s32 $0xFFFF9C00  }
0x45: {  	[tilespmem:s7], [sflag:$0x1] =	stream.indirect.gather [hbm4b:s3+s13], $0x10, s25, s13, $0xb8;
	[tilespmem:$0x19000] =	vst v63  }
0x46: {  	_ =	swait.ge [sflag:s15], $0x6400  }
0x47: {  	[sflag:s15] =	ssyncset.done $0x0  }
0x48: {  	s0 =	rddreg [dreg:$0x8];
	[sflag:s15] =	ssyncadd.s32 $0xFFFF9C00  }
0x49: {  	[hbm4b:s0+s2] =	stream.linear.scatter [tilespmem:s12], [sflag:$0x5], $0x6400, $0x38;
	[tilespmem:$0x19000] =	vst v63  }
0x4a: {  	_ =	swait.ge [sflag:s9], $0x6400  }
0x4b: {  	[sflag:s9] =	ssyncset.done $0x0  }
0x4c: {  	[sflag:s9] =	ssyncadd.s32 $0xFFFF9C00  }
0x4d: {  	[tilespmem:s12], [sflag:$0x2] =	stream.indirect.gather [hbm4b:s3+s13], $0x10, s24, s13, $0xb8;
	[tilespmem:$0x19000] =	vst v63  }
0x4e: {  	_ =	swait.ge [sflag:s14], $0x6400  }
0x4f: {  	[sflag:s14] =	ssyncset.done $0x0  }
0x50: {  	s0 =	rddreg [dreg:$0x9];
	[sflag:s14] =	ssyncadd.s32 $0xFFFF9C00  }
0x51: {  	[hbm4b:s0+s2] =	stream.linear.scatter [tilespmem:s11], [sflag:$0x6], $0x6400, $0x38;
	[tilespmem:$0x19000] =	vst v63  }
0x52: {  	_ =	swait.ge [sflag:s10], $0x6400  }
0x53: {  	[sflag:s10] =	ssyncset.done $0x0  }
0x54: {  	[sflag:s10] =	ssyncadd.s32 $0xFFFF9C00  }
0x55: {  	[tilespmem:s11], [sflag:$0x3] =	stream.indirect.gather [hbm4b:s3+s13], $0x10, s23, s13, $0xb8;
	[tilespmem:$0x19000] =	vst v63  }
0x56: {  	_ =	swait.ge [sflag:s8], $0x6400  }
0x57: {  	[sflag:s8] =	ssyncset.done $0x0  }
0x58: {  	s0 =	rddreg [dreg:$0xa];
	[sflag:s8] =	ssyncadd.s32 $0xFFFF9C00  }
0x59: {  	[hbm4b:s0+s2] =	stream.linear.scatter [tilespmem:s7], [sflag:$0x4], $0x6400, $0x38;
	[tilespmem:$0x19000] =	vst v63  }
0x5a: {  	_ =	swait.ge [sflag:s5], $0x6400  }
0x5b: {  	[sflag:s5] =	ssyncset.done $0x0  }
0x5c: {  	[sflag:s5] =	ssyncadd.s32 $0xFFFF9C00  }
0x5d: {  	[tilespmem:s7], [sflag:$0x1] =	stream.indirect.gather [hbm4b:s3+s13], $0x10, s22, s13, $0xb8;
	[tilespmem:$0x19000] =	vst v63  }
0x5e: {  	_ =	swait.ge [sflag:s15], $0x6400  }
0x5f: {  	[sflag:s15] =	ssyncset.done $0x0  }
0x60: {  	s0 =	rddreg [dreg:$0xb];
	[sflag:s15] =	ssyncadd.s32 $0xFFFF9C00  }
0x61: {  	[hbm4b:s0+s2] =	stream.linear.scatter [tilespmem:s12], [sflag:$0x5], $0x6400, $0x38;
	[tilespmem:$0x19000] =	vst v63  }
0x62: {  	_ =	swait.ge [sflag:s9], $0x6400  }
0x63: {  	[sflag:s9] =	ssyncset.done $0x0  }
0x64: {  	[sflag:s9] =	ssyncadd.s32 $0xFFFF9C00  }
0x65: {  	[tilespmem:s12], [sflag:$0x2] =	stream.indirect.gather [hbm4b:s3+s13], $0x10, s21, s13, $0xb8;
	[tilespmem:$0x19000] =	vst v63  }
0x66: {  	_ =	swait.ge [sflag:s14], $0x6400  }
0x67: {  	[sflag:s14] =	ssyncset.done $0x0  }
0x68: {  	s0 =	rddreg [dreg:$0xc];
	[sflag:s14] =	ssyncadd.s32 $0xFFFF9C00  }
0x69: {  	[hbm4b:s0+s2] =	stream.linear.scatter [tilespmem:s11], [sflag:$0x6], $0x6400, $0x38;
	[tilespmem:$0x19000] =	vst v63  }
0x6a: {  	_ =	swait.ge [sflag:s10], $0x6400  }
0x6b: {  	[sflag:s10] =	ssyncset.done $0x0  }
0x6c: {  	[sflag:s10] =	ssyncadd.s32 $0xFFFF9C00  }
0x6d: {  	[tilespmem:s11], [sflag:$0x3] =	stream.indirect.gather [hbm4b:s3+s13], $0x10, s20, s13, $0xb8;
	[tilespmem:$0x19000] =	vst v63  }
0x6e: {  	_ =	swait.ge [sflag:s8], $0x6400  }
0x6f: {  	[sflag:s8] =	ssyncset.done $0x0  }
0x70: {  	s0 =	rddreg [dreg:$0xd];
	[sflag:s8] =	ssyncadd.s32 $0xFFFF9C00  }
0x71: {  	[hbm4b:s0+s2] =	stream.linear.scatter [tilespmem:s7], [sflag:$0x4], $0x6400, $0x38;
	[tilespmem:$0x19000] =	vst v63  }
0x72: {  	_ =	swait.ge [sflag:s5], $0x6400  }
0x73: {  	[sflag:s5] =	ssyncset.done $0x0  }
0x74: {  	[sflag:s5] =	ssyncadd.s32 $0xFFFF9C00  }
0x75: {  	[tilespmem:s7], [sflag:$0x1] =	stream.indirect.gather [hbm4b:s3+s13], $0x10, s19, s13, $0xb8;
	[tilespmem:$0x19000] =	vst v63  }
0x76: {  	_ =	swait.ge [sflag:s15], $0x6400  }
0x77: {  	[sflag:s15] =	ssyncset.done $0x0  }
0x78: {  	s0 =	rddreg [dreg:$0xe];
	[sflag:s15] =	ssyncadd.s32 $0xFFFF9C00  }
0x79: {  	[hbm4b:s0+s2] =	stream.linear.scatter [tilespmem:s12], [sflag:$0x5], $0x6400, $0x38;
	[tilespmem:$0x19000] =	vst v63  }
0x7a: {  	_ =	swait.ge [sflag:s9], $0x6400  }
0x7b: {  	[sflag:s9] =	ssyncset.done $0x0  }
0x7c: {  	[sflag:s9] =	ssyncadd.s32 $0xFFFF9C00  }
0x7d: {  	[tilespmem:s12], [sflag:$0x2] =	stream.indirect.gather [hbm4b:s3+s13], $0x10, s18, s13, $0xb8;
	[tilespmem:$0x19000] =	vst v63  }
0x7e: {  	_ =	swait.ge [sflag:s14], $0x6400  }
0x7f: {  	[sflag:s14] =	ssyncset.done $0x0  }
0x80: {  	s0 =	rddreg [dreg:$0xf];
	[sflag:s14] =	ssyncadd.s32 $0xFFFF9C00  }
0x81: {  	[hbm4b:s0+s2] =	stream.linear.scatter [tilespmem:s11], [sflag:$0x6], $0x6400, $0x38;
	[tilespmem:$0x19000] =	vst v63  }
0x82: {  	_ =	swait.ge [sflag:s10], $0x6400  }
0x83: {  	[sflag:s10] =	ssyncset.done $0x0  }
0x84: {  	[sflag:s10] =	ssyncadd.s32 $0xFFFF9C00  }
0x85: {  	[tilespmem:s11], [sflag:$0x3] =	stream.indirect.gather [hbm4b:s3+s13], $0x10, s17, s13, $0xb8;
	[tilespmem:$0x19000] =	vst v63  }
0x86: {  	_ =	swait.ge [sflag:s8], $0x6400  }
0x87: {  	[sflag:s8] =	ssyncset.done $0x0  }
0x88: {  	s0 =	rddreg [dreg:$0x10];
	[sflag:s8] =	ssyncadd.s32 $0xFFFF9C00  }
0x89: {  	[hbm4b:s0+s2] =	stream.linear.scatter [tilespmem:s7], [sflag:$0x4], $0x6400, $0x38;
	[tilespmem:$0x19000] =	vst v63  }
0x8a: {  	_ =	swait.ge [sflag:s5], $0x6400  }
0x8b: {  	[sflag:s5] =	ssyncset.done $0x0  }
0x8c: {  	[sflag:s5] =	ssyncadd.s32 $0xFFFF9C00  }
0x8d: {  	[tilespmem:s7], [sflag:$0x1] =	stream.indirect.gather [hbm4b:s3+s13], $0x10, s16, s13, $0xb8;
	[tilespmem:$0x19000] =	vst v63  }
0x8e: {  	_ =	swait.ge [sflag:s15], $0x6400  }
0x8f: {  	[sflag:s15] =	ssyncset.done $0x0  }
0x90: {  	s0 =	rddreg [dreg:$0x11];
	[sflag:s15] =	ssyncadd.s32 $0xFFFF9C00  }
0x91: {  	[hbm4b:s0+s2] =	stream.linear.scatter [tilespmem:s12], [sflag:$0x5], $0x6400, $0x38;
	[tilespmem:$0x19000] =	vst v63  }
0x92: {  	_ =	swait.ge [sflag:s14], $0x6400  }
0x93: {  	[sflag:s14] =	ssyncset.done $0x0  }
0x94: {  	[sflag:s14] =	ssyncadd.s32 $0xFFFF9C00  }
0x95: {  	[hbm4b:s6+s2] =	stream.linear.scatter [tilespmem:s11], [sflag:$0x6], $0x6400, $0x38;
	[tilespmem:$0x19000] =	vst v63  }
0x96: {  	_ =	swait.ge [sflag:s8], $0x6400  }
0x97: {  	[sflag:s8] =	ssyncset.done $0x0  }
0x98: {  	[sflag:s8] =	ssyncadd.s32 $0xFFFF9C00  }
0x99: {  	[hbm4b:s4+s2] =	stream.linear.scatter [tilespmem:s7], [sflag:$0x4], $0x6400, $0x38;
	[tilespmem:$0x19000] =	vst v63  }
0x9a: {  	_ =	swait.ge [sflag:s9], $0x6400  }
0x9b: {  	[sflag:s9] =	ssyncset.done $0x0  }
0x9c: {  	p1 =	sne.s32 s1, $0x1;
	[sflag:s9] =	ssyncadd.s32 $0xFFFF9C00  }
.Ltmp1:
0x9d: {  	_ =	swait.ge [sflag:s10], $0x6400;
	(pc) =	sbr.rel @!p1 .LBB2_3-.Ltmp1, $4  }
0x9e: {  	[sflag:s10] =	ssyncset.done $0x0  }
0x9f: {  	[sflag:s10] =	ssyncadd.s32 $0xFFFF9C00  }
0xa0: {  	s1 =	sadd.s32 $0xFFFFFFFF, s1;
	_ =	swait.ge [sflag:s5], $0x6400  }
0xa1: {  	p0 =	por $0x1, $0x1;
	s0 =	rddreg [dreg:$0x3];
	[sflag:s5] =	ssyncset.done $0x0  }
.LBB2_2:
0xa2: {  	[sflag:s5] =	ssyncadd.s32 $0xFFFF9C00  }
0xa3: {  	[tilespmem:s2], [sflag:$0x7] =	stream.linear.gather [hbm4b:s0+s2], $0x6400, $0x38;
	[tilespmem:$0x19000] =	vst v63  }
0xa4: {  	_ =	swait.ge [sflag:s30], $0x6400  }
0xa5: {  	[sflag:s30] =	ssyncset.done $0x0  }
0xa6: {  	[sflag:s30] =	ssyncadd.s32 $0xFFFF9C00  }
0xa7: {  	[tilespmem:s7], [sflag:$0x1] =	stream.indirect.gather [hbm4b:s3+s13], $0x10, s2, s13, $0xb8;
	[tilespmem:$0x19000] =	vst v63  }
0xa8: {  	_ = 	snop  }
0xa9: {  	[tilespmem:s12], [sflag:$0x2] =	stream.indirect.gather [hbm4b:s3+s13], $0x10, s13, s13, $0xb8;
	[tilespmem:$0x19000] =	vst v63  }
0xaa: {  	_ = 	snop  }
0xab: {  	[tilespmem:s11], [sflag:$0x3] =	stream.indirect.gather [hbm4b:s3+s13], $0x10, s31, s13, $0xb8;
	[tilespmem:$0x19000] =	vst v63  }
0xac: {  	_ =	swait.ge [sflag:s8], $0x6400  }
0xad: {  	[sflag:s8] =	ssyncset.done $0x0  }
0xae: {  	s0 =	rddreg [dreg:$0x4];
	[sflag:s8] =	ssyncadd.s32 $0xFFFF9C00  }
0xaf: {  	[hbm4b:s0+s2] =	stream.linear.scatter [tilespmem:s7], [sflag:$0x4], $0x6400, $0x38;
	[tilespmem:$0x19000] =	vst v63  }
0xb0: {  	_ =	swait.ge [sflag:s5], $0x6400  }
0xb1: {  	[sflag:s5] =	ssyncset.done $0x0  }
0xb2: {  	[sflag:s5] =	ssyncadd.s32 $0xFFFF9C00  }
0xb3: {  	[tilespmem:s7], [sflag:$0x1] =	stream.indirect.gather [hbm4b:s3+s13], $0x10, s29, s13, $0xb8;
	[tilespmem:$0x19000] =	vst v63  }
0xb4: {  	_ =	swait.ge [sflag:s15], $0x6400  }
0xb5: {  	[sflag:s15] =	ssyncset.done $0x0  }
0xb6: {  	s0 =	rddreg [dreg:$0x5];
	[sflag:s15] =	ssyncadd.s32 $0xFFFF9C00  }
0xb7: {  	[hbm4b:s0+s2] =	stream.linear.scatter [tilespmem:s12], [sflag:$0x5], $0x6400, $0x38;
	[tilespmem:$0x19000] =	vst v63  }
0xb8: {  	_ =	swait.ge [sflag:s9], $0x6400  }
0xb9: {  	[sflag:s9] =	ssyncset.done $0x0  }
0xba: {  	[sflag:s9] =	ssyncadd.s32 $0xFFFF9C00  }
0xbb: {  	[tilespmem:s12], [sflag:$0x2] =	stream.indirect.gather [hbm4b:s3+s13], $0x10, s28, s13, $0xb8;
	[tilespmem:$0x19000] =	vst v63  }
0xbc: {  	_ =	swait.ge [sflag:s14], $0x6400  }
0xbd: {  	[sflag:s14] =	ssyncset.done $0x0  }
0xbe: {  	s0 =	rddreg [dreg:$0x6];
	[sflag:s14] =	ssyncadd.s32 $0xFFFF9C00  }
0xbf: {  	[hbm4b:s0+s2] =	stream.linear.scatter [tilespmem:s11], [sflag:$0x6], $0x6400, $0x38;
	[tilespmem:$0x19000] =	vst v63  }
0xc0: {  	_ =	swait.ge [sflag:s10], $0x6400  }
0xc1: {  	[sflag:s10] =	ssyncset.done $0x0  }
0xc2: {  	[sflag:s10] =	ssyncadd.s32 $0xFFFF9C00  }
0xc3: {  	[tilespmem:s11], [sflag:$0x3] =	stream.indirect.gather [hbm4b:s3+s13], $0x10, s26, s13, $0xb8;
	[tilespmem:$0x19000] =	vst v63  }
0xc4: {  	_ =	swait.ge [sflag:s8], $0x6400  }
0xc5: {  	[sflag:s8] =	ssyncset.done $0x0  }
0xc6: {  	s0 =	rddreg [dreg:$0x7];
	[sflag:s8] =	ssyncadd.s32 $0xFFFF9C00  }
0xc7: {  	[hbm4b:s0+s2] =	stream.linear.scatter [tilespmem:s7], [sflag:$0x4], $0x6400, $0x38;
	[tilespmem:$0x19000] =	vst v63  }
0xc8: {  	_ =	swait.ge [sflag:s5], $0x6400  }
0xc9: {  	[sflag:s5] =	ssyncset.done $0x0  }
0xca: {  	[sflag:s5] =	ssyncadd.s32 $0xFFFF9C00  }
0xcb: {  	[tilespmem:s7], [sflag:$0x1] =	stream.indirect.gather [hbm4b:s3+s13], $0x10, s25, s13, $0xb8;
	[tilespmem:$0x19000] =	vst v63  }
0xcc: {  	_ =	swait.ge [sflag:s15], $0x6400  }
0xcd: {  	[sflag:s15] =	ssyncset.done $0x0  }
0xce: {  	s0 =	rddreg [dreg:$0x8];
	[sflag:s15] =	ssyncadd.s32 $0xFFFF9C00  }
0xcf: {  	[hbm4b:s0+s2] =	stream.linear.scatter [tilespmem:s12], [sflag:$0x5], $0x6400, $0x38;
	[tilespmem:$0x19000] =	vst v63  }
0xd0: {  	_ =	swait.ge [sflag:s9], $0x6400  }
0xd1: {  	[sflag:s9] =	ssyncset.done $0x0  }
0xd2: {  	[sflag:s9] =	ssyncadd.s32 $0xFFFF9C00  }
0xd3: {  	[tilespmem:s12], [sflag:$0x2] =	stream.indirect.gather [hbm4b:s3+s13], $0x10, s24, s13, $0xb8;
	[tilespmem:$0x19000] =	vst v63  }
0xd4: {  	_ =	swait.ge [sflag:s14], $0x6400  }
0xd5: {  	[sflag:s14] =	ssyncset.done $0x0  }
0xd6: {  	s0 =	rddreg [dreg:$0x9];
	[sflag:s14] =	ssyncadd.s32 $0xFFFF9C00  }
0xd7: {  	[hbm4b:s0+s2] =	stream.linear.scatter [tilespmem:s11], [sflag:$0x6], $0x6400, $0x38;
	[tilespmem:$0x19000] =	vst v63  }
0xd8: {  	_ =	swait.ge [sflag:s10], $0x6400  }
0xd9: {  	[sflag:s10] =	ssyncset.done $0x0  }
0xda: {  	[sflag:s10] =	ssyncadd.s32 $0xFFFF9C00  }
0xdb: {  	[tilespmem:s11], [sflag:$0x3] =	stream.indirect.gather [hbm4b:s3+s13], $0x10, s23, s13, $0xb8;
	[tilespmem:$0x19000] =	vst v63  }
0xdc: {  	_ =	swait.ge [sflag:s8], $0x6400  }
0xdd: {  	[sflag:s8] =	ssyncset.done $0x0  }
0xde: {  	s0 =	rddreg [dreg:$0xa];
	[sflag:s8] =	ssyncadd.s32 $0xFFFF9C00  }
0xdf: {  	[hbm4b:s0+s2] =	stream.linear.scatter [tilespmem:s7], [sflag:$0x4], $0x6400, $0x38;
	[tilespmem:$0x19000] =	vst v63  }
0xe0: {  	_ =	swait.ge [sflag:s5], $0x6400  }
0xe1: {  	[sflag:s5] =	ssyncset.done $0x0  }
0xe2: {  	[sflag:s5] =	ssyncadd.s32 $0xFFFF9C00  }
0xe3: {  	[tilespmem:s7], [sflag:$0x1] =	stream.indirect.gather [hbm4b:s3+s13], $0x10, s22, s13, $0xb8;
	[tilespmem:$0x19000] =	vst v63  }
0xe4: {  	_ =	swait.ge [sflag:s15], $0x6400  }
0xe5: {  	[sflag:s15] =	ssyncset.done $0x0  }
0xe6: {  	s0 =	rddreg [dreg:$0xb];
	[sflag:s15] =	ssyncadd.s32 $0xFFFF9C00  }
0xe7: {  	[hbm4b:s0+s2] =	stream.linear.scatter [tilespmem:s12], [sflag:$0x5], $0x6400, $0x38;
	[tilespmem:$0x19000] =	vst v63  }
0xe8: {  	_ =	swait.ge [sflag:s9], $0x6400  }
0xe9: {  	[sflag:s9] =	ssyncset.done $0x0  }
0xea: {  	[sflag:s9] =	ssyncadd.s32 $0xFFFF9C00  }
0xeb: {  	[tilespmem:s12], [sflag:$0x2] =	stream.indirect.gather [hbm4b:s3+s13], $0x10, s21, s13, $0xb8;
	[tilespmem:$0x19000] =	vst v63  }
0xec: {  	_ =	swait.ge [sflag:s14], $0x6400  }
0xed: {  	[sflag:s14] =	ssyncset.done $0x0  }
0xee: {  	s0 =	rddreg [dreg:$0xc];
	[sflag:s14] =	ssyncadd.s32 $0xFFFF9C00  }
0xef: {  	[hbm4b:s0+s2] =	stream.linear.scatter [tilespmem:s11], [sflag:$0x6], $0x6400, $0x38;
	[tilespmem:$0x19000] =	vst v63  }
0xf0: {  	_ =	swait.ge [sflag:s10], $0x6400  }
0xf1: {  	[sflag:s10] =	ssyncset.done $0x0  }
0xf2: {  	[sflag:s10] =	ssyncadd.s32 $0xFFFF9C00  }
0xf3: {  	[tilespmem:s11], [sflag:$0x3] =	stream.indirect.gather [hbm4b:s3+s13], $0x10, s20, s13, $0xb8;
	[tilespmem:$0x19000] =	vst v63  }
0xf4: {  	_ =	swait.ge [sflag:s8], $0x6400  }
0xf5: {  	[sflag:s8] =	ssyncset.done $0x0  }
0xf6: {  	s0 =	rddreg [dreg:$0xd];
	[sflag:s8] =	ssyncadd.s32 $0xFFFF9C00  }
0xf7: {  	[hbm4b:s0+s2] =	stream.linear.scatter [tilespmem:s7], [sflag:$0x4], $0x6400, $0x38;
	[tilespmem:$0x19000] =	vst v63  }
0xf8: {  	_ =	swait.ge [sflag:s5], $0x6400  }
0xf9: {  	[sflag:s5] =	ssyncset.done $0x0  }
0xfa: {  	[sflag:s5] =	ssyncadd.s32 $0xFFFF9C00  }
0xfb: {  	[tilespmem:s7], [sflag:$0x1] =	stream.indirect.gather [hbm4b:s3+s13], $0x10, s19, s13, $0xb8;
	[tilespmem:$0x19000] =	vst v63  }
0xfc: {  	_ =	swait.ge [sflag:s15], $0x6400  }
0xfd: {  	[sflag:s15] =	ssyncset.done $0x0  }
0xfe: {  	s0 =	rddreg [dreg:$0xe];
	[sflag:s15] =	ssyncadd.s32 $0xFFFF9C00  }
0xff: {  	[hbm4b:s0+s2] =	stream.linear.scatter [tilespmem:s12], [sflag:$0x5], $0x6400, $0x38;
	[tilespmem:$0x19000] =	vst v63  }
0x100: {  	_ =	swait.ge [sflag:s9], $0x6400  }
0x101: {  	[sflag:s9] =	ssyncset.done $0x0  }
0x102: {  	[sflag:s9] =	ssyncadd.s32 $0xFFFF9C00  }
0x103: {  	[tilespmem:s12], [sflag:$0x2] =	stream.indirect.gather [hbm4b:s3+s13], $0x10, s18, s13, $0xb8;
	[tilespmem:$0x19000] =	vst v63  }
0x104: {  	_ =	swait.ge [sflag:s14], $0x6400  }
0x105: {  	[sflag:s14] =	ssyncset.done $0x0  }
0x106: {  	s0 =	rddreg [dreg:$0xf];
	[sflag:s14] =	ssyncadd.s32 $0xFFFF9C00  }
0x107: {  	[hbm4b:s0+s2] =	stream.linear.scatter [tilespmem:s11], [sflag:$0x6], $0x6400, $0x38;
	[tilespmem:$0x19000] =	vst v63  }
0x108: {  	_ =	swait.ge [sflag:s10], $0x6400  }
0x109: {  	[sflag:s10] =	ssyncset.done $0x0  }
0x10a: {  	[sflag:s10] =	ssyncadd.s32 $0xFFFF9C00  }
0x10b: {  	[tilespmem:s11], [sflag:$0x3] =	stream.indirect.gather [hbm4b:s3+s13], $0x10, s17, s13, $0xb8;
	[tilespmem:$0x19000] =	vst v63  }
0x10c: {  	_ =	swait.ge [sflag:s8], $0x6400  }
0x10d: {  	[sflag:s8] =	ssyncset.done $0x0  }
0x10e: {  	s0 =	rddreg [dreg:$0x10];
	[sflag:s8] =	ssyncadd.s32 $0xFFFF9C00  }
0x10f: {  	[hbm4b:s0+s2] =	stream.linear.scatter [tilespmem:s7], [sflag:$0x4], $0x6400, $0x38;
	[tilespmem:$0x19000] =	vst v63  }
0x110: {  	_ =	swait.ge [sflag:s5], $0x6400  }
0x111: {  	[sflag:s5] =	ssyncset.done $0x0  }
0x112: {  	[sflag:s5] =	ssyncadd.s32 $0xFFFF9C00  }
0x113: {  	[tilespmem:s7], [sflag:$0x1] =	stream.indirect.gather [hbm4b:s3+s13], $0x10, s16, s13, $0xb8;
	[tilespmem:$0x19000] =	vst v63  }
0x114: {  	_ =	swait.ge [sflag:s15], $0x6400  }
0x115: {  	[sflag:s15] =	ssyncset.done $0x0  }
0x116: {  	s0 =	rddreg [dreg:$0x11];
	[sflag:s15] =	ssyncadd.s32 $0xFFFF9C00  }
0x117: {  	[hbm4b:s0+s2] =	stream.linear.scatter [tilespmem:s12], [sflag:$0x5], $0x6400, $0x38;
	[tilespmem:$0x19000] =	vst v63  }
0x118: {  	_ =	swait.ge [sflag:s14], $0x6400  }
0x119: {  	[sflag:s14] =	ssyncset.done $0x0  }
0x11a: {  	[sflag:s14] =	ssyncadd.s32 $0xFFFF9C00  }
0x11b: {  	[hbm4b:s6+s2] =	stream.linear.scatter [tilespmem:s11], [sflag:$0x6], $0x6400, $0x38;
	[tilespmem:$0x19000] =	vst v63  }
0x11c: {  	_ =	swait.ge [sflag:s8], $0x6400  }
0x11d: {  	[sflag:s8] =	ssyncset.done $0x0  }
0x11e: {  	[sflag:s8] =	ssyncadd.s32 $0xFFFF9C00  }
0x11f: {  	[hbm4b:s4+s2] =	stream.linear.scatter [tilespmem:s7], [sflag:$0x4], $0x6400, $0x38;
	[tilespmem:$0x19000] =	vst v63  }
0x120: {  	_ =	swait.ge [sflag:s9], $0x6400  }
0x121: {  	[sflag:s9] =	ssyncset.done $0x0  }
0x122: {  	p1 =	sne.s32 s1, $0x1;
	[sflag:s9] =	ssyncadd.s32 $0xFFFF9C00  }
.Ltmp2:
0x123: {  	_ =	swait.ge [sflag:s10], $0x6400;
	(pc) =	sbr.rel @p1 .LBB2_2-.Ltmp2, $4  }
0x124: {  	[sflag:s10] =	ssyncset.done $0x0  }
0x125: {  	[sflag:s10] =	ssyncadd.s32 $0xFFFF9C00  }
0x126: {  	_ =	swait.ge [sflag:s5], $0x6400  }
0x127: {  	s1 =	sadd.s32 $0xFFFFFFFF, s1;
	s0 =	rddreg [dreg:$0x3];
	[sflag:s5] =	ssyncset.done $0x0  }
.LBB2_3:
0x128: {  	[sflag:s5] =	ssyncadd.s32 @p0 $0xFFFF9C00  }
0x129: {  	[tilespmem:s2], [sflag:$0x7] =	stream.linear.gather [hbm4b:s0+s2], $0x6400, $0x38;
	[tilespmem:$0x19000] =	vst v63  }
0x12a: {  	_ =	swait.ge [sflag:s30], $0x6400  }
0x12b: {  	[sflag:s30] =	ssyncset.done $0x0  }
0x12c: {  	[sflag:s30] =	ssyncadd.s32 $0xFFFF9C00  }
0x12d: {  	[tilespmem:s7], [sflag:$0x1] =	stream.indirect.gather [hbm4b:s3+s13], $0x10, s2, s13, $0xb8;
	[tilespmem:$0x19000] =	vst v63  }
0x12e: {  	_ = 	snop  }
0x12f: {  	[tilespmem:s12], [sflag:$0x2] =	stream.indirect.gather [hbm4b:s3+s13], $0x10, s13, s13, $0xb8;
	[tilespmem:$0x19000] =	vst v63  }
0x130: {  	_ = 	snop  }
0x131: {  	[tilespmem:s11], [sflag:$0x3] =	stream.indirect.gather [hbm4b:s3+s13], $0x10, s31, s13, $0xb8;
	[tilespmem:$0x19000] =	vst v63  }
0x132: {  	_ =	swait.ge [sflag:s8], $0x6400  }
0x133: {  	[sflag:s8] =	ssyncset.done $0x0  }
0x134: {  	s31 =	rddreg [dreg:$0x4];
	[sflag:s8] =	ssyncadd.s32 $0xFFFF9C00  }
0x135: {  	[hbm4b:s31+s2] =	stream.linear.scatter [tilespmem:s7], [sflag:$0x4], $0x6400, $0x38;
	[tilespmem:$0x19000] =	vst v63  }
0x136: {  	_ =	swait.ge [sflag:s5], $0x6400  }
0x137: {  	[sflag:s5] =	ssyncset.done $0x0  }
0x138: {  	[sflag:s5] =	ssyncadd.s32 $0xFFFF9C00  }
0x139: {  	[tilespmem:s7], [sflag:$0x1] =	stream.indirect.gather [hbm4b:s3+s13], $0x10, s29, s13, $0xb8;
	[tilespmem:$0x19000] =	vst v63  }
0x13a: {  	_ =	swait.ge [sflag:s15], $0x6400  }
0x13b: {  	[sflag:s15] =	ssyncset.done $0x0  }
0x13c: {  	s1 =	rddreg [dreg:$0x5];
	[sflag:s15] =	ssyncadd.s32 $0xFFFF9C00  }
0x13d: {  	[hbm4b:s1+s2] =	stream.linear.scatter [tilespmem:s12], [sflag:$0x5], $0x6400, $0x38;
	[tilespmem:$0x19000] =	vst v63  }
0x13e: {  	_ =	swait.ge [sflag:s9], $0x6400  }
0x13f: {  	[sflag:s9] =	ssyncset.done $0x0  }
0x140: {  	[sflag:s9] =	ssyncadd.s32 $0xFFFF9C00  }
0x141: {  	[tilespmem:s12], [sflag:$0x2] =	stream.indirect.gather [hbm4b:s3+s13], $0x10, s28, s13, $0xb8;
	[tilespmem:$0x19000] =	vst v63  }
0x142: {  	_ =	swait.ge [sflag:s14], $0x6400  }
0x143: {  	[sflag:s14] =	ssyncset.done $0x0  }
0x144: {  	s28 =	rddreg [dreg:$0x6];
	[sflag:s14] =	ssyncadd.s32 $0xFFFF9C00  }
0x145: {  	[hbm4b:s28+s2] =	stream.linear.scatter [tilespmem:s11], [sflag:$0x6], $0x6400, $0x38;
	[tilespmem:$0x19000] =	vst v63  }
0x146: {  	_ =	swait.ge [sflag:s10], $0x6400  }
0x147: {  	[sflag:s10] =	ssyncset.done $0x0  }
0x148: {  	[sflag:s10] =	ssyncadd.s32 $0xFFFF9C00  }
0x149: {  	[tilespmem:s11], [sflag:$0x3] =	stream.indirect.gather [hbm4b:s3+s13], $0x10, s26, s13, $0xb8;
	[tilespmem:$0x19000] =	vst v63  }
0x14a: {  	_ =	swait.ge [sflag:s8], $0x6400  }
0x14b: {  	[sflag:s8] =	ssyncset.done $0x0  }
0x14c: {  	s29 =	rddreg [dreg:$0x7];
	[sflag:s8] =	ssyncadd.s32 $0xFFFF9C00  }
0x14d: {  	[hbm4b:s29+s2] =	stream.linear.scatter [tilespmem:s7], [sflag:$0x4], $0x6400, $0x38;
	[tilespmem:$0x19000] =	vst v63  }
0x14e: {  	_ =	swait.ge [sflag:s5], $0x6400  }
0x14f: {  	[sflag:s5] =	ssyncset.done $0x0  }
0x150: {  	[sflag:s5] =	ssyncadd.s32 $0xFFFF9C00  }
0x151: {  	[tilespmem:s7], [sflag:$0x1] =	stream.indirect.gather [hbm4b:s3+s13], $0x10, s25, s13, $0xb8;
	[tilespmem:$0x19000] =	vst v63  }
0x152: {  	_ =	swait.ge [sflag:s15], $0x6400  }
0x153: {  	[sflag:s15] =	ssyncset.done $0x0  }
0x154: {  	s30 =	rddreg [dreg:$0x8];
	[sflag:s15] =	ssyncadd.s32 $0xFFFF9C00  }
0x155: {  	[hbm4b:s30+s2] =	stream.linear.scatter [tilespmem:s12], [sflag:$0x5], $0x6400, $0x38;
	[tilespmem:$0x19000] =	vst v63  }
0x156: {  	_ =	swait.ge [sflag:s9], $0x6400  }
0x157: {  	[sflag:s9] =	ssyncset.done $0x0  }
0x158: {  	[sflag:s9] =	ssyncadd.s32 $0xFFFF9C00  }
0x159: {  	[tilespmem:s12], [sflag:$0x2] =	stream.indirect.gather [hbm4b:s3+s13], $0x10, s24, s13, $0xb8;
	[tilespmem:$0x19000] =	vst v63  }
0x15a: {  	_ =	swait.ge [sflag:s14], $0x6400  }
0x15b: {  	[sflag:s14] =	ssyncset.done $0x0  }
0x15c: {  	s31 =	rddreg [dreg:$0x9];
	[sflag:s14] =	ssyncadd.s32 $0xFFFF9C00  }
0x15d: {  	[hbm4b:s31+s2] =	stream.linear.scatter [tilespmem:s11], [sflag:$0x6], $0x6400, $0x38;
	[tilespmem:$0x19000] =	vst v63  }
0x15e: {  	_ =	swait.ge [sflag:s10], $0x6400  }
0x15f: {  	[sflag:s10] =	ssyncset.done $0x0  }
0x160: {  	[sflag:s10] =	ssyncadd.s32 $0xFFFF9C00  }
0x161: {  	[tilespmem:s11], [sflag:$0x3] =	stream.indirect.gather [hbm4b:s3+s13], $0x10, s23, s13, $0xb8;
	[tilespmem:$0x19000] =	vst v63  }
0x162: {  	_ =	swait.ge [sflag:s8], $0x6400  }
0x163: {  	[sflag:s8] =	ssyncset.done $0x0  }
0x164: {  	s1 =	rddreg [dreg:$0xa];
	[sflag:s8] =	ssyncadd.s32 $0xFFFF9C00  }
0x165: {  	[hbm4b:s1+s2] =	stream.linear.scatter [tilespmem:s7], [sflag:$0x4], $0x6400, $0x38;
	[tilespmem:$0x19000] =	vst v63  }
0x166: {  	_ =	swait.ge [sflag:s5], $0x6400  }
0x167: {  	[sflag:s5] =	ssyncset.done $0x0  }
0x168: {  	[sflag:s5] =	ssyncadd.s32 $0xFFFF9C00  }
0x169: {  	[tilespmem:s7], [sflag:$0x1] =	stream.indirect.gather [hbm4b:s3+s13], $0x10, s22, s13, $0xb8;
	[tilespmem:$0x19000] =	vst v63  }
0x16a: {  	_ =	swait.ge [sflag:s15], $0x6400  }
0x16b: {  	[sflag:s15] =	ssyncset.done $0x0  }
0x16c: {  	s23 =	rddreg [dreg:$0xb];
	[sflag:s15] =	ssyncadd.s32 $0xFFFF9C00  }
0x16d: {  	[hbm4b:s23+s2] =	stream.linear.scatter [tilespmem:s12], [sflag:$0x5], $0x6400, $0x38;
	[tilespmem:$0x19000] =	vst v63  }
0x16e: {  	_ =	swait.ge [sflag:s9], $0x6400  }
0x16f: {  	[sflag:s9] =	ssyncset.done $0x0  }
0x170: {  	[sflag:s9] =	ssyncadd.s32 $0xFFFF9C00  }
0x171: {  	[tilespmem:s12], [sflag:$0x2] =	stream.indirect.gather [hbm4b:s3+s13], $0x10, s21, s13, $0xb8;
	[tilespmem:$0x19000] =	vst v63  }
0x172: {  	_ =	swait.ge [sflag:s14], $0x6400  }
0x173: {  	[sflag:s14] =	ssyncset.done $0x0  }
0x174: {  	s24 =	rddreg [dreg:$0xc];
	[sflag:s14] =	ssyncadd.s32 $0xFFFF9C00  }
0x175: {  	[hbm4b:s24+s2] =	stream.linear.scatter [tilespmem:s11], [sflag:$0x6], $0x6400, $0x38;
	[tilespmem:$0x19000] =	vst v63  }
0x176: {  	_ =	swait.ge [sflag:s10], $0x6400  }
0x177: {  	[sflag:s10] =	ssyncset.done $0x0  }
0x178: {  	[sflag:s10] =	ssyncadd.s32 $0xFFFF9C00  }
0x179: {  	[tilespmem:s11], [sflag:$0x3] =	stream.indirect.gather [hbm4b:s3+s13], $0x10, s20, s13, $0xb8;
	[tilespmem:$0x19000] =	vst v63  }
0x17a: {  	_ =	swait.ge [sflag:s8], $0x6400  }
0x17b: {  	[sflag:s8] =	ssyncset.done $0x0  }
0x17c: {  	s25 =	rddreg [dreg:$0xd];
	[sflag:s8] =	ssyncadd.s32 $0xFFFF9C00  }
0x17d: {  	[hbm4b:s25+s2] =	stream.linear.scatter [tilespmem:s7], [sflag:$0x4], $0x6400, $0x38;
	[tilespmem:$0x19000] =	vst v63  }
0x17e: {  	_ =	swait.ge [sflag:s5], $0x6400  }
0x17f: {  	[sflag:s5] =	ssyncset.done $0x0  }
0x180: {  	[sflag:s5] =	ssyncadd.s32 $0xFFFF9C00  }
0x181: {  	[tilespmem:s7], [sflag:$0x1] =	stream.indirect.gather [hbm4b:s3+s13], $0x10, s19, s13, $0xb8;
	[tilespmem:$0x19000] =	vst v63  }
0x182: {  	_ =	swait.ge [sflag:s15], $0x6400  }
0x183: {  	[sflag:s15] =	ssyncset.done $0x0  }
0x184: {  	s26 =	rddreg [dreg:$0xe];
	[sflag:s15] =	ssyncadd.s32 $0xFFFF9C00  }
0x185: {  	[hbm4b:s26+s2] =	stream.linear.scatter [tilespmem:s12], [sflag:$0x5], $0x6400, $0x38;
	[tilespmem:$0x19000] =	vst v63  }
0x186: {  	_ =	swait.ge [sflag:s9], $0x6400  }
0x187: {  	[sflag:s9] =	ssyncset.done $0x0  }
0x188: {  	[sflag:s9] =	ssyncadd.s32 $0xFFFF9C00  }
0x189: {  	[tilespmem:s12], [sflag:$0x2] =	stream.indirect.gather [hbm4b:s3+s13], $0x10, s18, s13, $0xb8;
	[tilespmem:$0x19000] =	vst v63  }
0x18a: {  	_ =	swait.ge [sflag:s14], $0x6400  }
0x18b: {  	[sflag:s14] =	ssyncset.done $0x0  }
0x18c: {  	s28 =	rddreg [dreg:$0xf];
	[sflag:s14] =	ssyncadd.s32 $0xFFFF9C00  }
0x18d: {  	[hbm4b:s28+s2] =	stream.linear.scatter [tilespmem:s11], [sflag:$0x6], $0x6400, $0x38;
	[tilespmem:$0x19000] =	vst v63  }
0x18e: {  	_ =	swait.ge [sflag:s10], $0x6400  }
0x18f: {  	[sflag:s10] =	ssyncset.done $0x0  }
0x190: {  	[sflag:s10] =	ssyncadd.s32 $0xFFFF9C00  }
0x191: {  	[tilespmem:s11], [sflag:$0x3] =	stream.indirect.gather [hbm4b:s3+s13], $0x10, s17, s13, $0xb8;
	[tilespmem:$0x19000] =	vst v63  }
0x192: {  	_ =	swait.ge [sflag:s8], $0x6400  }
0x193: {  	[sflag:s8] =	ssyncset.done $0x0  }
0x194: {  	s29 =	rddreg [dreg:$0x10];
	[sflag:s8] =	ssyncadd.s32 $0xFFFF9C00  }
0x195: {  	[hbm4b:s29+s2] =	stream.linear.scatter [tilespmem:s7], [sflag:$0x4], $0x6400, $0x38;
	[tilespmem:$0x19000] =	vst v63  }
0x196: {  	_ =	swait.ge [sflag:s5], $0x6400  }
0x197: {  	[sflag:s5] =	ssyncset.done $0x0  }
0x198: {  	[sflag:s5] =	ssyncadd.s32 $0xFFFF9C00  }
0x199: {  	[tilespmem:s7], [sflag:$0x1] =	stream.indirect.gather [hbm4b:s3+s13], $0x10, s16, s13, $0xb8;
	[tilespmem:$0x19000] =	vst v63  }
0x19a: {  	_ =	swait.ge [sflag:s15], $0x6400  }
0x19b: {  	[sflag:s15] =	ssyncset.done $0x0  }
0x19c: {  	s30 =	rddreg [dreg:$0x11];
	[sflag:s15] =	ssyncadd.s32 $0xFFFF9C00  }
0x19d: {  	[hbm4b:s30+s2] =	stream.linear.scatter [tilespmem:s12], [sflag:$0x5], $0x6400, $0x38;
	[tilespmem:$0x19000] =	vst v63  }
0x19e: {  	_ =	swait.ge [sflag:s14], $0x6400  }
0x19f: {  	[sflag:s14] =	ssyncset.done $0x0  }
0x1a0: {  	[sflag:s14] =	ssyncadd.s32 $0xFFFF9C00  }
0x1a1: {  	[hbm4b:s6+s2] =	stream.linear.scatter [tilespmem:s11], [sflag:$0x6], $0x6400, $0x38;
	[tilespmem:$0x19000] =	vst v63  }
0x1a2: {  	_ =	swait.ge [sflag:s8], $0x6400  }
0x1a3: {  	[sflag:s8] =	ssyncset.done $0x0  }
0x1a4: {  	[sflag:s8] =	ssyncadd.s32 $0xFFFF9C00  }
0x1a5: {  	[hbm4b:s4+s2] =	stream.linear.scatter [tilespmem:s7], [sflag:$0x4], $0x6400, $0x38;
	[tilespmem:$0x19000] =	vst v63  }
0x1a6: {  	_ =	swait.ge [sflag:s9], $0x6400  }
0x1a7: {  	[sflag:s9] =	ssyncset.done $0x0  }
0x1a8: {  	[sflag:s9] =	ssyncadd.s32 $0xFFFF9C00  }
0x1a9: {  	_ =	swait.ge [sflag:s10], $0x6400  }
0x1aa: {  	[sflag:s10] =	ssyncset.done $0x0  }
0x1ab: {  	[sflag:s10] =	ssyncadd.s32 $0xFFFF9C00  }
0x1ac: {  	_ =	swait.ge [sflag:s5], $0x6400  }
0x1ad: {  	[sflag:s5] =	ssyncset.done $0x0  }
0x1ae: {  	[sflag:s5] =	ssyncadd.s32 $0xFFFF9C00  }
0x1af: {  	_ =	sfence.sel $0x180000  }
0x1b0: {  	[bflag:$0x0] =	sbarrier.arrive $0xFFFF  }
0x1b1: {  	_ =	strace $0x90000047  }
0x1b2: {  	s31 =	stileid.u32;
	[bflag:$0x2] =	sbarrier.arrive $0xFFFF  }
0x1b3: {  	p0 =	sne.s32 s31, $0x0;
	s0 =	rddreg [dreg:$0x2]  }
0x1b4: {  	s0 =	sadd.s32 @!p0 $0x100000, s0  }
0x1b5: {  	[sflag:s0] =	ssyncadd.tile.s32 @!p0 $0x1;
	_ =	shalt  }
.Lfunc_end2:
_tile_overlayer_lowered:
.L_overlay_start_2:
0x1b6: {  	(tag) =	ssettag $0x2  }
0x1b7: {  	s0 =	rddreg [dreg:$0x0];
	s2 =	stileid.u32  }
0x1b8: {  	s1 =	rddreg [dreg:$0x1];
	p0 =	sne.s32 s2, $0x0  }
0x1b9: {  	s3 =	rddreg [dreg:$0x2];
	[bflag:$0x3] =	sbarrier.arrive $0xFFFF;
	s2 =	simm.s32 @!p0 $0x1C07  }
0x1ba: {  	[timem:s3], [sflag:s2] =	dma.local @!p0 [hbm:s0], s1  }
0x1bb: {  	s0 =	simm.s32 @!p0 $0x7  }
0x1bc: {  	_ =	swait.ge @!p0 [sflag:s0], s1  }
0x1bd: {  	s1 =	ssub.s32 @!p0 $0x0, s1;
	[sflag:s0] =	ssyncset.done @!p0 $0x0  }
0x1be: {  	[sflag:s0] =	ssyncadd.s32 @!p0 s1  }
0x1bf: {  	[bflag:$0x3] =	sbarrier.arrive $0xFFFF  }
0x1c0: {  	_ =	shalt  }

// kernel: sparse-core-data-format-call.1.cloned.1.call-start
scs
called_computation.1_lowered:
.L_overlay_start_0:
0x0: {  	s2 =	sld [smem:$0x3FD9]  }
0x1: {  	s3 =	sld [smem:$0x3FFE];
	_ =	sdelay $0x1  }
0x2: {  	s1 =	srdreg.scid  }
0x3: {  	s0 =	sand.u32 $0x1, s1  }
0x4: {  	s18 =	sshll.u32 s0, $0xA;
	s2 =	sadd.s32 s3, s2  }
0x5: {  	s2 =	sadd.s32 s2, s18  }
0x6: {  	[smem:$0x3FC5] =	sst s2  }
0x7: {  	_ = 	snop  }
0x8: {  	s2 =	sld [smem:$0x3FD0];
	(tm) =	ssettm $0x1  }
0x9: {  	s19 =	sld [smem:$0x3FFB];
	_ =	sdelay $0x3  }
0xa: {  	_ =	strace s19  }
0xb: {  	s3 =	sld [smem:$0x3FFC];
	_ =	sdelay $0x3  }
0xc: {  	_ =	strace s3  }
0xd: {  	s3 =	sld [smem:$0x3FFD];
	_ =	sdelay $0x3  }
0xe: {  	_ =	strace s3  }
0xf: {  	_ =	strace $0x8FFFFFFF  }
0x10: {  	s20 =	sld [smem:$0x3FDB];
	_ =	sdelay $0x1  }
0x11: {  	s4 =	simm.s32 $_scs_section_size  }
0x12: {  	s5 =	simm.s32 $_size__tile_overlayer_lowered;
	s6 =	simm.s32 $_tile_overlayer_lowered  }
0x13: {  	s23 =	simm.s32 $0x1BFF;
	s22 =	sshll.u32 s6, $0x1;
	s3 =	sadd.s32 s4, s20  }
0x14: {  	s7 =	simm.s32 $0x0;
	s21 =	sshll.u32 s5, $0x1;
	s5 =	sadd.s32 s22, s3  }
0x15: {  	[timem:s7], [sflag:s23] =	dma.local [hbm:s5], s21  }
0x16: {  	_ =	swait.ge [sflag:s23], s21  }
0x17: {  	s4 =	ssub.s32 $0x0, s21;
	[sflag:s23] =	ssyncset.done $0x0  }
0x18: {  	[sflag:s23] =	ssyncadd.s32 s4;
	_ =	sdelay $0x1  }
0x19: {  	s24 =	simm.s32 $0x1B8B  }
0x1a: {  	_ =	swait.ge [sflag:s24], $0x1  }
0x1b: {  	[sflag:s24] =	ssyncset.done $0x0  }
0x1c: {  	s26 =	simm.s32 $0x1B8E;
	s25 =	sld [smem:$0x3FFE];
	[sflag:s24] =	ssyncadd.s32 $0xFFFFFFFF  }
0x1d: {  	s27 =	simm.s32 $execute0_lowered;
	[smem:$0x3FD2] =	sst s26  }
0x1e: {  	s5 =	sshll.u32 s27, $0x1;
	_ =	strace $0x80000049;
	[dreg:$0x1] =	wrdreg $0xFFFFFFFF  }
0x1f: {  	s28 =	simm.s32 $_size_execute0_lowered;
	s3 =	sadd.s32 s3, s5;
	[dreg:$0x0] =	wrdreg $0x0  }
0x20: {  	s5 =	sshll.u32 s28, $0x1;
	[dreg:$0x2] =	wrdreg s3  }
0x21: {  	[dreg:$0x3] =	wrdreg s5  }
0x22: {  	[dreg:$0x4] =	wrdreg $0xC0  }
0x23: {  	_ =	task [dreg:s7], $0x5FFFF  }
0x24: {  	[dreg:$0x1] =	wrdreg $0xFFFFFFFF  }
0x25: {  	[dreg:$0x0] =	wrdreg $0x60  }
0x26: {  	[dreg:$0x2] =	wrdreg s25  }
0x27: {  	[dreg:$0x3] =	wrdreg s2  }
0x28: {  	[dreg:$0x4] =	wrdreg $0x9  }
0x29: {  	_ =	task.clear_ibuf [dreg:s7], $0x5FFFF;
	_ =	strace $0x90000049  }
0x2a: {  	s29 =	simm.s32 $0x9;
	_ =	strace $0x8000004B  }
0x2b: {  	_ =	swait.ge [sflag:s29], $0x1  }
0x2c: {  	[sflag:s29] =	ssyncadd.s32 $0xFFFFFFFF  }
0x2d: {  	_ =	strace $0x9000004B  }
0x2e: {  	_ =	sfence  }
0x2f: {  	s30 =	sld [smem:$0x0];
	_ =	sdelay $0x2  }
0x30: {  	s31 =	sshll.u32 s1, $0xD;
	s1 =	sshrl.u32 s1, $0x2  }
0x31: {  	s3 =	sand.u32 $0x4000, s31;
	s1 =	sadd.s32 s1, s30  }
0x32: {  	s0 =	sor.u32 s3, s0;
	s1 =	sshll.u32 s1, $0x11  }
0x33: {  	s0 =	sor.u32 s1, s0  }
0x34: {  	s0 =	sadd.s32 $0x8F2B, s0  }
0x35: {  	[sflag:s0] =	ssyncadd.remote.s32 $0x1  }
0x36: {  	_ =	sfence.sel $0xFFFF  }
0x37: {  	[dreg:$0x0] =	wrdreg $0xFFFFFFFF;
	(pc) =	sbr.abs _section_cstart, $3  }
0x38: {  	[dreg:$0x1] =	wrdreg $0xFFFFFFFF  }
0x39: {  	_ =	task.clear_ibuf [dreg:s7], $0x2FFFF;
	_ =	strace $0x9FFFFFFF  }
0x3a: {  	(tm) =	ssettm $0x7FFFFFFF  }
0x3b: {  	_ =	shalt  }
tec
execute0_lowered:
.L_overlay_start_1:
0x0: {  	(tag) =	ssettag $0x1  }
0x1: {  	s0 =	srdreg.scid  }
0x2: {  	s1 =	sshll.u32 s0, $0x4  }
0x3: {  	s4 =	rddreg [dreg:$0x0];
	s0 =	stileid.u32;
	s1 =	sand.u32 $0x10, s1  }
0x4: {  	s2 =	rddreg [dreg:$0x1];
	s7 =	simm.s32 $0x1;
	s1 =	sor.u32 s0, s1  }
0x5: {  	s8 =	simm.s32 $0x2;
	s11 =	simm.s32 $0x0;
	s3 =	sshll.u32 s1, $0x7  }
0x6: {  	s10 =	simm.s32 $0x0;
	s4 =	sadd.s32 $0x1C00, s4;
	s6 =	ssub.s32 $0xC8000, s3  }
.Ltmp0:
0x7: {  	s1 =	rddreg [dreg:$0x2];
	s5 =	sand.u32 $0xF80, s6;
	(pc) =	sbr.rel .LBB1_1-.Ltmp0, $4  }
0x8: {  	_ =	strace $0x8000004A;
	s9 =	smov.u32 s3;
	p0 =	sne.s32 s5, $0x0  }
0x9: {  	s6 =	sshrl.u32 s6, $0xC;
	s5 =	simm.s32 $0x1;
	s7 =	simm.s32 @!p0 $0x0  }
0xa: {  	[sflag:s5] =	ssyncpa.u1 $0x0;
	p0 =	por $0x0, $0x0;
	s6 =	sadd.s32 s7, s6  }
0xb: {  	[sflag:s8] =	ssyncpa.u1 $0x0;
	s8 =	simm.s32 $0x640000;
	s7 =	sadd.s32 $0x1, s6  }
.LBB1_4:
0xc: {  	s14 =	sshll.u32 s11, $0x3  }
0xd: {  	s30 =	sand.u32 $0x7F, s11;
	s15 =	sand.u32 $0xFFFFFC00, s14  }
0xe: {  	s11 =	sor.u32 s30, s15  }
0xf: {  	s15 =	smulhi.u32 $0x51EB851F, s11  }
0x10: {  	s14 =	smulhi.u32 $0x51EB851F, s14  }
0x11: {  	s15 =	sshrl.u32 s15, $0x12  }
0x12: {  	s14 =	sshrl.u32 s14, $0x12;
	s15 =	smul.u32 $0xC8000, s15  }
0x13: {  	[tilespmem:s12+$0xFFFFFFFC ss:$0x81] =	vst.msk $0xffff, v1;
	s14 =	sand.u32 $0xF, s14  }
0x14: {  	[tilespmem:s12+$0xFFFFFFFD ss:$0x81] =	vst.msk $0xffff, v2;
	s14 =	smul.u32 $0x19000, s14;
	s11 =	ssub.s32 s11, s15  }
0x15: {  	[tilespmem:s12+$0xFFFFFFFE ss:$0x81] =	vst.msk $0xffff, v0;
	s15 =	sand.u32 $0x7, s11  }
0x16: {  	[tilespmem:s12+$0xFFFFFFFF ss:$0x81] =	vst.msk $0xffff, v4;
	s14 =	sadd.s32 s2, s14;
	s11 =	sshrl.u32 s11, $0x3;
	s15 =	sshll.u32 s15, $0x12  }
0x17: {  	[tilespmem:s12+$0xFFFFFFF9 ss:$0x81] =	vst.msk $0xffff, v3;
	s11 =	sadd.s32 s11, s14;
	s31 =	sor.u32 $0x400, s15  }
0x18: {  	[hbm4b:s11+s31] =	stream.strided.scatter [tilespmem:s13], [sflag:$0x2], $0x800, s8, s31, $0x20;
	[tilespmem:$0x2020] =	vst v63  }
.LBB1_5:
0x19: {  	s13 =	sadd.s32 $0x1000, s9  }
0x1a: {  	p2 =	sgt.s32 s13, $0xC7FFF  }
0x1b: {  	s13 =	smov.u32 @p2 s3;
	p2 =	sne.s32 s10, s7  }
.Ltmp1:
0x1c: {  	p1 =	slt.u32 s10, $0x2;
	(pc) =	sbr.rel @!p2 .LBB1_6-.Ltmp1, $4  }
0x1d: {  	s12 =	simm.s32 @!p1 $0x2  }
0x1e: {  	s14 =	sadd.s32 $0x1, s10;
	_ =	swait.ge @!p1 [sflag:s12], $0x800  }
0x1f: {  	s11 =	smov.u32 s9;
	p0 =	por !p0, !p0;
	[sflag:s12] =	ssyncset.done @!p1 $0x0  }
0x20: {  	s10 =	smov.u32 s14;
	s9 =	smov.u32 s13;
	[sflag:s12] =	ssyncadd.s32 @!p1 $0xFFFFF800  }
.LBB1_1:
0x21: {  	p1 =	sge.u32 s10, s6  }
0x22: {  	s12 =	sand.u32 @!p1 $0x1FFFFFF, s9  }
0x23: {  	s13 =	smulhi.u32 @!p1 $0x147AE15, s12;
	_ =	sdelay $0x1  }
0x24: {  	s13 =	sshrl.u32 @!p1 s13, $0xC  }
0x25: {  	s13 =	smul.u32 @!p1 $0xC8000, s13;
	_ =	sdelay $0x1  }
0x26: {  	s31 =	sadd.s32 $0xFFFFFFFF, s10;
	s14 =	sxor.u32 @!p1 $0xFFFFFFFF, s10;
	s12 =	ssub.s32 @!p1 s12, s13  }
0x27: {  	s15 =	simm.s32 @!p1 $0x80;
	s14 =	sshll.u32 @!p1 s14, $0xB;
	s12 =	sshll.u32 @!p1 s12, $0x4  }
0x28: {  	s13 =	sand.u32 @!p1 $0x800, s14;
	s14 =	simm.s32 @!p1 $0x10;
	s12 =	sadd.s32 @!p1 s4, s12  }
0x29: {  	[tilespmem:s13], [sflag:$0x1] =	stream.strided.gather @!p1 [hbm4b:s12+s14], $0x800, s15, s14, $0x38;
	[tilespmem:$0x2020] =	vst v63  }
0x2a: {  	p1 =	sge.u32 s31, s6  }
.Ltmp2:
0x2b: {  	_ = 	snop;
	(pc) =	sbr.rel @p1 .LBB1_5-.Ltmp2, $1  }
0x2c: {  	_ =	sdelay $0x3  }
0x2d: {  	s12 =	simm.s32 $0x1  }
0x2e: {  	_ =	swait.ge [sflag:s5], $0x800;
	s12 =	simm.s32 @!p0 $0x0  }
0x2f: {  	[sflag:s5] =	ssyncset.done $0x0;
	s13 =	sshll.u32 s12, $0xB  }
0x30: {  	[sflag:s5] =	ssyncadd.s32 $0xFFFFF800;
	s15 =	sor.u32 $0x40, s13  }
0x31: {  	v3 =	vld [tilespmem:s15+$0x30]  }
0x32: {  	s12 =	smul.u32 $0x2040, s12;
	v4 =	vld [tilespmem:s15+$0xFFFFFFD0]  }
0x33: {  	v5 =	vld [tilespmem:s15+$0xFFFFFFE0]  }
0x34: {  	s31 =	sand.u32 $0x1, s10;
	s12 =	sshrl.u32 s12, $0x2;
	v1 =	vld [tilespmem:s15+$0xFFFFFFF0]  }
0x35: {  	s13 =	smul.u32 $0x2040, s31;
	v2 =	vld [tilespmem:s15+$0x0];
	s12 =	sor.u32 $0x1007, s12  }
0x36: {  	v0 =	vld [tilespmem:s15+$0x10];
	[tilespmem:s12+$0x0 ss:$0x81] =	vst.msk $0xffff, v3  }
0x37: {  	s13 =	sshrl.u32 s13, $0x2;
	[tilespmem:s12+$0xFFFFFFFA ss:$0x81] =	vst.msk $0xffff, v4;
	v4 =	vld [tilespmem:s15+$0x20]  }
0x38: {  	s14 =	simm.s32 $0x0;
	s13 =	sor.u32 $0x1000, s13;
	v3 =	vld [tilespmem:s15+$0xFFFFFFC0];
	[tilespmem:s12+$0xFFFFFFFB ss:$0x81] =	vst.msk $0xffff, v5;
	s15 =	sadd.s32 $0x80, s15  }
.LBB1_3:
0x39: {  	v5 =	vld [tilespmem:s15+$0x30];
	s14 =	sadd.s32 $0x8, s14;
	[tilespmem:s12+$0xFFFFFFFC ss:$0x81] =	vst.msk $0xffff, v1  }
0x3a: {  	v6 =	vld [tilespmem:s15+$0xFFFFFFD0];
	p1 =	slt.u32 s14, $0x78;
	[tilespmem:s12+$0xFFFFFFFD ss:$0x81] =	vst.msk $0xffff, v2  }
0x3b: {  	v7 =	vld [tilespmem:s15+$0xFFFFFFE0];
	[tilespmem:s12+$0xFFFFFFFE ss:$0x81] =	vst.msk $0xffff, v0  }
.Ltmp3:
0x3c: {  	v1 =	vld [tilespmem:s15+$0xFFFFFFF0];
	[tilespmem:s12+$0xFFFFFFFF ss:$0x81] =	vst.msk $0xffff, v4;
	(pc) =	sbr.rel @p1 .LBB1_3-.Ltmp3, $4  }
0x3d: {  	v2 =	vld [tilespmem:s15+$0x0];
	[tilespmem:s12+$0xFFFFFFF9 ss:$0x81] =	vst.msk $0xffff, v3;
	s12 =	sadd.s32 $0x8, s12  }
0x3e: {  	v0 =	vld [tilespmem:s15+$0x10];
	[tilespmem:s12+$0x0 ss:$0x81] =	vst.msk $0xffff, v5  }
0x3f: {  	[tilespmem:s12+$0xFFFFFFFA ss:$0x81] =	vst.msk $0xffff, v6;
	v4 =	vld [tilespmem:s15+$0x20]  }
0x40: {  	v3 =	vld [tilespmem:s15+$0xFFFFFFC0];
	[tilespmem:s12+$0xFFFFFFFB ss:$0x81] =	vst.msk $0xffff, v7;
	s15 =	sadd.s32 $0x80, s15  }
.Ltmp4:
0x41: {  	_ = 	snop;
	(pc) =	sbr.rel .LBB1_4-.Ltmp4, $1  }
0x42: {  	_ =	sdelay $0x3  }
.LBB1_6:
0x43: {  	_ =	sfence.sel $0x180000  }
0x44: {  	s2 =	simm.s32 $0x1;
	[bflag:$0x0] =	sbarrier.arrive $0xFFFF  }
0x45: {  	s31 =	simm.s32 $0x2;
	[sflag:s2] =	ssyncpa.u1 $0x1  }
0x46: {  	[sflag:s31] =	ssyncpa.u1 $0x1  }
0x47: {  	p0 =	sne.s32 s0, $0x0;
	_ =	strace $0x9000004A  }
0x48: {  	s0 =	sadd.s32 @!p0 $0x100000, s1;
	[bflag:$0x2] =	sbarrier.arrive $0xFFFF  }
0x49: {  	[sflag:s0] =	ssyncadd.tile.s32 @!p0 $0x1;
	_ =	shalt  }
.Lfunc_end1:
_tile_overlayer_lowered:
.L_overlay_start_2:
0x4a: {  	(tag) =	ssettag $0x2  }
0x4b: {  	s0 =	rddreg [dreg:$0x0];
	s2 =	stileid.u32  }
0x4c: {  	s1 =	rddreg [dreg:$0x1];
	p0 =	sne.s32 s2, $0x0  }
0x4d: {  	s3 =	rddreg [dreg:$0x2];
	[bflag:$0x3] =	sbarrier.arrive $0xFFFF;
	s2 =	simm.s32 @!p0 $0x1C01  }
0x4e: {  	[timem:s3], [sflag:s2] =	dma.local @!p0 [hbm:s0], s1  }
0x4f: {  	s0 =	simm.s32 @!p0 $0x1  }
0x50: {  	_ =	swait.ge @!p0 [sflag:s0], s1  }
0x51: {  	s1 =	ssub.s32 @!p0 $0x0, s1;
	[sflag:s0] =	ssyncset.done @!p0 $0x0  }
0x52: {  	[sflag:s0] =	ssyncadd.s32 @!p0 s1  }
0x53: {  	[bflag:$0x3] =	sbarrier.arrive $0xFFFF  }
0x54: {  	_ =	shalt  }

// kernel: sparse-core-data-format-call.cloned.1.call-start
scs
called_computation_lowered:
.L_overlay_start_0:
0x0: {  	s2 =	sld [smem:$0x3FD9]  }
0x1: {  	s3 =	sld [smem:$0x3FFE];
	_ =	sdelay $0x1  }
0x2: {  	s1 =	srdreg.scid  }
0x3: {  	s0 =	sand.u32 $0x1, s1  }
0x4: {  	s18 =	sshll.u32 s0, $0xA;
	s2 =	sadd.s32 s3, s2  }
0x5: {  	s2 =	sadd.s32 s2, s18  }
0x6: {  	[smem:$0x3FC5] =	sst s2  }
0x7: {  	_ = 	snop  }
0x8: {  	s2 =	sld [smem:$0x3FD0];
	(tm) =	ssettm $0x1  }
0x9: {  	s19 =	sld [smem:$0x3FFB];
	_ =	sdelay $0x3  }
0xa: {  	_ =	strace s19  }
0xb: {  	s3 =	sld [smem:$0x3FFC];
	_ =	sdelay $0x3  }
0xc: {  	_ =	strace s3  }
0xd: {  	s3 =	sld [smem:$0x3FFD];
	_ =	sdelay $0x3  }
0xe: {  	_ =	strace s3  }
0xf: {  	_ =	strace $0x8FFFFFFF  }
0x10: {  	s20 =	sld [smem:$0x3FDB];
	_ =	sdelay $0x1  }
0x11: {  	s4 =	simm.s32 $_scs_section_size  }
0x12: {  	s5 =	simm.s32 $_size__tile_overlayer_lowered;
	s6 =	simm.s32 $_tile_overlayer_lowered  }
0x13: {  	s23 =	simm.s32 $0x1BFF;
	s22 =	sshll.u32 s6, $0x1;
	s3 =	sadd.s32 s4, s20  }
0x14: {  	s7 =	simm.s32 $0x0;
	s21 =	sshll.u32 s5, $0x1;
	s5 =	sadd.s32 s22, s3  }
0x15: {  	[timem:s7], [sflag:s23] =	dma.local [hbm:s5], s21  }
0x16: {  	_ =	swait.ge [sflag:s23], s21  }
0x17: {  	s4 =	ssub.s32 $0x0, s21;
	[sflag:s23] =	ssyncset.done $0x0  }
0x18: {  	[sflag:s23] =	ssyncadd.s32 s4;
	_ =	sdelay $0x1  }
0x19: {  	s24 =	simm.s32 $0x1B8B  }
0x1a: {  	_ =	swait.ge [sflag:s24], $0x1  }
0x1b: {  	[sflag:s24] =	ssyncset.done $0x0  }
0x1c: {  	s26 =	simm.s32 $0x1B8E;
	s25 =	sld [smem:$0x3FFE];
	[sflag:s24] =	ssyncadd.s32 $0xFFFFFFFF  }
0x1d: {  	s27 =	simm.s32 $execute0_lowered;
	[smem:$0x3FD2] =	sst s26  }
0x1e: {  	s5 =	sshll.u32 s27, $0x1;
	_ =	strace $0x8000004C;
	[dreg:$0x1] =	wrdreg $0xFFFFFFFF  }
0x1f: {  	s28 =	simm.s32 $_size_execute0_lowered;
	s3 =	sadd.s32 s3, s5;
	[dreg:$0x0] =	wrdreg $0x0  }
0x20: {  	s5 =	sshll.u32 s28, $0x1;
	[dreg:$0x2] =	wrdreg s3  }
0x21: {  	[dreg:$0x3] =	wrdreg s5  }
0x22: {  	[dreg:$0x4] =	wrdreg $0xC0  }
0x23: {  	_ =	task [dreg:s7], $0x5FFFF  }
0x24: {  	[dreg:$0x1] =	wrdreg $0xFFFFFFFF  }
0x25: {  	[dreg:$0x0] =	wrdreg $0x60  }
0x26: {  	[dreg:$0x2] =	wrdreg s25  }
0x27: {  	[dreg:$0x3] =	wrdreg s2  }
0x28: {  	[dreg:$0x4] =	wrdreg $0x9  }
0x29: {  	_ =	task.clear_ibuf [dreg:s7], $0x5FFFF;
	_ =	strace $0x9000004C  }
0x2a: {  	s29 =	simm.s32 $0x9;
	_ =	strace $0x8000004E  }
0x2b: {  	_ =	swait.ge [sflag:s29], $0x1  }
0x2c: {  	[sflag:s29] =	ssyncadd.s32 $0xFFFFFFFF  }
0x2d: {  	_ =	strace $0x9000004E  }
0x2e: {  	_ =	sfence  }
0x2f: {  	s30 =	sld [smem:$0x0];
	_ =	sdelay $0x2  }
0x30: {  	s31 =	sshll.u32 s1, $0xD;
	s1 =	sshrl.u32 s1, $0x2  }
0x31: {  	s3 =	sand.u32 $0x4000, s31;
	s1 =	sadd.s32 s1, s30  }
0x32: {  	s0 =	sor.u32 s3, s0;
	s1 =	sshll.u32 s1, $0x11  }
0x33: {  	s0 =	sor.u32 s1, s0  }
0x34: {  	s0 =	sadd.s32 $0x8F2B, s0  }
0x35: {  	[sflag:s0] =	ssyncadd.remote.s32 $0x1  }
0x36: {  	_ =	sfence.sel $0xFFFF  }
0x37: {  	[dreg:$0x0] =	wrdreg $0xFFFFFFFF;
	(pc) =	sbr.abs _section_cstart, $3  }
0x38: {  	[dreg:$0x1] =	wrdreg $0xFFFFFFFF  }
0x39: {  	_ =	task.clear_ibuf [dreg:s7], $0x2FFFF;
	_ =	strace $0x9FFFFFFF  }
0x3a: {  	(tm) =	ssettm $0x7FFFFFFF  }
0x3b: {  	_ =	shalt  }
tec
execute0_lowered:
.L_overlay_start_1:
0x0: {  	(tag) =	ssettag $0x1  }
0x1: {  	s8 =	rddreg [dreg:$0x0];
	s0 =	stileid.u32  }
0x2: {  	s1 =	srdreg.scid;
	s2 =	rddreg [dreg:$0x1];
	s31 =	simm.s32 $0x2  }
0x3: {  	s16 =	simm.s32 $0x0;
	s17 =	simm.s32 $0x0;
	s11 =	simm.s32 $0x0  }
0x4: {  	s12 =	simm.s32 $0x0;
	s15 =	simm.s32 $0x0;
	s3 =	sshll.u32 s0, $0x1  }
0x5: {  	s4 =	sshll.u32 s0, $0x4;
	s1 =	sshll.u32 s1, $0x8;
	s3 =	sand.u32 $0xE, s3  }
0x6: {  	s4 =	sor.u32 s4, s1;
	s1 =	rddreg [dreg:$0x2];
	_ =	strace $0x8000004D  }
0x7: {  	s4 =	sand.u32 $0x180, s4;
	s5 =	ssub.s32 $0x10, s3;
	s14 =	smov.u32 s3  }
0x8: {  	s6 =	sand.u32 $0xE, s5;
	s7 =	ssub.s32 $0x4000, s4;
	s10 =	sshrl.u32 s5, $0x4  }
0x9: {  	p0 =	sne.s32 s6, $0x0;
	s6 =	simm.s32 $0x1;
	s9 =	sand.u32 $0x180, s7  }
0xa: {  	s6 =	simm.s32 @!p0 $0x0;
	p0 =	sne.s32 s9, $0x0;
	s9 =	simm.s32 $0x1  }
.Ltmp0:
0xb: {  	s7 =	sshrl.u32 s7, $0x9;
	s9 =	simm.s32 @!p0 $0x0;
	(pc) =	sbr.rel .LBB1_1-.Ltmp0, $4  }
0xc: {  	s5 =	simm.s32 $0x1;
	s6 =	sadd.s32 s6, s10;
	s7 =	sadd.s32 s9, s7  }
0xd: {  	s13 =	smov.u32 s4;
	[sflag:s5] =	ssyncpa.u1 $0x0;
	s6 =	smul.u32 s6, s7  }
0xe: {  	[sflag:s31] =	ssyncpa.u1 $0x0;
	p0 =	por $0x0, $0x0;
	s10 =	simm.s32 $0x40000  }
0xf: {  	s7 =	sadd.s32 $0x1C00, s8;
	s8 =	sadd.s32 $0x41C00, s8;
	s9 =	sadd.s32 $0x1, s6  }
.LBB1_7:
0x10: {  	p1 =	slt.u32 s15, $0x2  }
0x11: {  	s19 =	smov.u32 s17;
	p2 =	sgt.s32 @!p1 s17, $0xE;
	s18 =	sshra.s32 @!p1 s17, $0x1F  }
0x12: {  	p3 =	sgt.s32 @!p1 s16, $0x3F80;
	s20 =	sshra.s32 @!p1 s16, $0x1F;
	p2 =	por !p2, p1  }
0x13: {  	s17 =	sand.u32 @!p1 s18, s17;
	p3 =	por !p3, p1;
	s18 =	smov.u32 s16  }
0x14: {  	s16 =	sand.u32 @!p1 s20, s16;
	s19 =	simm.s32 @p2 $0xE;
	s18 =	simm.s32 @p3 $0x3F80  }
0x15: {  	s20 =	smov.u32 s14;
	s17 =	ssub.s32 @!p1 s19, s17;
	s16 =	ssub.s32 @!p1 s18, s16  }
0x16: {  	s18 =	sadd.s32 @!p1 $0xFFFFFFF2, s17;
	s17 =	ssub.s32 @!p1 $0x10, s17;
	s19 =	sadd.s32 @!p1 $0xFFFFC080, s16  }
0x17: {  	p2 =	sgt.s32 @!p1 s18, $0x1;
	s17 =	smul.u32 @!p1 $0x32, s17;
	p3 =	sgt.s32 @!p1 s19, $0x7F  }
0x18: {  	s16 =	ssub.s32 @!p1 $0x4000, s16;
	p2 =	por !p2, p1;
	p3 =	por !p3, p1  }
0x19: {  	s18 =	sadd.s32 $0x200, s13;
	s17 =	simm.s32 @!p2 $0x0;
	s16 =	simm.s32 @!p3 $0x0  }
0x1a: {  	p2 =	sgt.s32 s18, $0x3FFF;
	s16 =	smul.u32 @!p1 s16, s17;
	s17 =	sadd.s32 $0x10, s14  }
0x1b: {  	s20 =	smov.u32 @p2 s17  }
0x1c: {  	s18 =	smov.u32 @p2 s4;
	p2 =	sgt.s32 s20, $0xF  }
0x1d: {  	s20 =	smov.u32 @p2 s3;
	p2 =	sne.s32 s15, s9  }
.Ltmp1:
0x1e: {  	p0 =	por !p0, !p0;
	s19 =	simm.s32 @!p1 $0x2;
	(pc) =	sbr.rel @!p2 .LBB1_8-.Ltmp1, $4  }
0x1f: {  	s17 =	smov.u32 s12;
	s12 =	smov.u32 s14;
	s16 =	sand.u32 @!p1 $0x3FFFFFFE, s16  }
0x20: {  	_ =	swait.ge @!p1 [sflag:s19], s16;
	s21 =	ssub.s32 @!p1 $0x0, s16;
	s16 =	smov.u32 s11  }
0x21: {  	s15 =	sadd.s32 $0x1, s15;
	s11 =	smov.u32 s13;
	[sflag:s19] =	ssyncset.done @!p1 $0x0  }
0x22: {  	s13 =	smov.u32 s18;
	s14 =	smov.u32 s20;
	[sflag:s19] =	ssyncadd.s32 @!p1 s21  }
.LBB1_1:
0x23: {  	p1 =	sge.u32 s15, s6  }
0x24: {  	s18 =	sxor.u32 @!p1 $0xFFFFFFFF, s15;
	s19 =	sshll.u32 @!p1 s14, $0x12  }
0x25: {  	s20 =	sshll.u32 @!p1 s13, $0x4;
	s22 =	simm.s32 @!p1 $0x40;
	s23 =	simm.s32 @!p1 $0x80  }
0x26: {  	s18 =	sshll.u32 @!p1 s18, $0xE;
	s20 =	sand.u32 @!p1 $0x3FFF0, s20;
	s21 =	sadd.s32 @!p1 s7, s19  }
0x27: {  	s19 =	sadd.s32 @!p1 s19, s8;
	s18 =	sand.u32 @!p1 $0x4000, s18;
	s21 =	sadd.s32 @!p1 s20, s21  }
0x28: {  	[tilespmem:s18], [sflag:$0x1] =	stream.strided.gather @!p1 [hbm4b:s21+s22], $0x2000, s23, s22, $0x38;
	[tilespmem:$0x10100] =	vst v63  }
0x29: {  	s31 =	sadd.s32 $0xFFFFFFFF, s15;
	s19 =	sadd.s32 @!p1 s20, s19;
	s18 =	sor.u32 @!p1 $0x2000, s18  }
0x2a: {  	[tilespmem:s18], [sflag:$0x1] =	stream.strided.gather @!p1 [hbm4b:s19+s22], $0x2000, s23, s22, $0x38;
	[tilespmem:$0x10100] =	vst v63  }
0x2b: {  	p1 =	sge.u32 s31, s6  }
.Ltmp2:
0x2c: {  	_ = 	snop;
	(pc) =	sbr.rel @p1 .LBB1_7-.Ltmp2, $1  }
0x2d: {  	_ =	sdelay $0x3  }
0x2e: {  	s18 =	simm.s32 $0x1;
	s20 =	sand.u32 $0x1, s15  }
0x2f: {  	_ =	swait.ge [sflag:s5], $0x4000;
	s18 =	simm.s32 @!p0 $0x0;
	s20 =	smul.u32 $0x10200, s20  }
0x30: {  	p2 =	por $0x1, $0x1;
	[sflag:s5] =	ssyncset.done $0x0;
	s19 =	smul.u32 $0x10200, s18  }
0x31: {  	s21 =	sshll.u32 s18, $0x10;
	[sflag:s5] =	ssyncadd.s32 $0xFFFFC000;
	s30 =	sshrl.u32 s20, $0x2  }
0x32: {  	s31 =	sshrl.u32 s21, $0x2;
	s21 =	simm.s32 $0x0;
	s19 =	sshrl.u32 s19, $0x2  }
0x33: {  	s18 =	sor.u32 $0x8000, s30;
	s20 =	sadd.s32 $0x20, s31;
	s19 =	sor.u32 $0x8000, s19  }
.LBB1_3:
0x34: {  	s22 =	sshll.u32 s21, $0xD  }
0x35: {  	s22 =	sand.u32 $0x3FFFE000, s22  }
0x36: {  	s24 =	sadd.s32 s22, s20  }
0x37: {  	s31 =	smul.u32 $0x204, s21;
	v3 =	vld [tilespmem:s24+$0x10]  }
0x38: {  	v1 =	vld [tilespmem:s24+$0xFFFFFFF0]  }
0x39: {  	s21 =	sshra.s32 s31, $0x2;
	v0 =	vld [tilespmem:s24+$0x0]  }
0x3a: {  	s21 =	sadd.s32 s21, s19;
	v2 =	vld [tilespmem:s24+$0xFFFFFFE0]  }
0x3b: {  	s22 =	sadd.s32 $0x0, s21  }
0x3c: {  	p1 =	por p2, p2;
	s23 =	simm.s32 $0x4;
	s24 =	sadd.s32 $0x40, s24;
	[tilespmem:s22+$0x3060 ss:$0x102] =	vst.msk $0xffff, v3  }
.LBB1_4:
0x3d: {  	v3 =	vld [tilespmem:s24+$0x10];
	p2 =	sne.s32 s23, $0x1FC;
	[tilespmem:s22+$0x1020 ss:$0x102] =	vst.msk $0xffff, v1;
	s25 =	smov.u32 s23;
	s23 =	sadd.s32 $0x4, s23  }
.Ltmp3:
0x3e: {  	v1 =	vld [tilespmem:s24+$0xFFFFFFF0];
	[tilespmem:s22+$0x2040 ss:$0x102] =	vst.msk $0xffff, v0;
	(pc) =	sbr.rel @p2 .LBB1_4-.Ltmp3, $4  }
0x3f: {  	v0 =	vld [tilespmem:s24+$0x0];
	[tilespmem:s22+$0x0 ss:$0x102] =	vst.msk $0xffff, v2  }
0x40: {  	s22 =	sshra.s32 s25, $0x2;
	v2 =	vld [tilespmem:s24+$0xFFFFFFE0]  }
0x41: {  	s22 =	sadd.s32 s22, s21  }
0x42: {  	s24 =	sadd.s32 $0x40, s24;
	[tilespmem:s22+$0x3060 ss:$0x102] =	vst.msk $0xffff, v3  }
.Ltmp4:
0x43: {  	(pc) =	sbr.rel @p1 .LBB1_3-.Ltmp4, $4  }
0x44: {  	_ = 	snop  }
0x45: {  	[tilespmem:s22+$0x1020 ss:$0x102] =	vst.msk $0xffff, v1  }
0x46: {  	[tilespmem:s22+$0x2040 ss:$0x102] =	vst.msk $0xffff, v0  }
0x47: {  	s21 =	simm.s32 $0x1;
	p2 =	por $0x0, $0x0;
	[tilespmem:s22+$0x0 ss:$0x102] =	vst.msk $0xffff, v2  }
0x48: {  	s19 =	sand.u32 $0x78, s11;
	p1 =	sgt.s32 s12, $0xE;
	s20 =	smov.u32 s12  }
0x49: {  	s21 =	sshra.s32 s12, $0x1F;
	s22 =	sshll.u32 s12, $0xE;
	s23 =	sshll.u32 s11, $0x3  }
0x4a: {  	s30 =	sshra.s32 s11, $0x1F;
	s25 =	sshll.u32 s12, $0x7;
	s20 =	simm.s32 @!p1 $0xE  }
0x4b: {  	s21 =	sand.u32 s21, s12;
	s22 =	sand.u32 $0x20000, s22;
	p1 =	sgt.s32 s11, $0x3F80  }
0x4c: {  	s25 =	sand.u32 $0x380, s25;
	s20 =	ssub.s32 s20, s21;
	s21 =	smov.u32 s11  }
0x4d: {  	s22 =	sadd.s32 s22, s23;
	s24 =	sadd.s32 $0xFFFFFFF2, s20;
	s21 =	simm.s32 @!p1 $0x3F80  }
0x4e: {  	s20 =	ssub.s32 $0x10, s20;
	p1 =	sgt.s32 s24, $0x1;
	s24 =	sand.u32 s30, s11  }
0x4f: {  	s23 =	sand.u32 $0x3C00, s23;
	s20 =	smul.u32 $0x32, s20;
	s21 =	ssub.s32 s21, s24  }
0x50: {  	s19 =	sor.u32 s25, s19;
	s22 =	sand.u32 $0x3C000, s22;
	s24 =	sadd.s32 $0xFFFFC080, s21  }
0x51: {  	s20 =	simm.s32 @p1 $0x0;
	s21 =	ssub.s32 $0x4000, s21;
	p1 =	sgt.s32 s24, $0x7F  }
.Ltmp5:
0x52: {  	s19 =	sor.u32 s23, s19;
	s21 =	simm.s32 @p1 $0x0;
	(pc) =	sbr.rel .LBB1_7-.Ltmp5, $4  }
0x53: {  	s31 =	sand.u32 $0x7, s11;
	s19 =	sor.u32 s22, s19;
	s20 =	smul.u32 s21, s20  }
0x54: {  	s19 =	sshrl.u32 s19, $0x3;
	s21 =	sshll.u32 s31, $0x12  }
0x55: {  	s19 =	sadd.s32 s2, s19;
	s21 =	sor.u32 $0x100, s21;
	s20 =	sand.u32 $0x3FFFFFFE, s20  }
0x56: {  	[hbm4b:s19+s21] =	stream.strided.scatter [tilespmem:s18], [sflag:$0x2], s20, s10, s21, $0x20;
	[tilespmem:$0x10100] =	vst v63  }
.LBB1_8:
0x57: {  	_ =	sfence.sel $0x180000  }
0x58: {  	s2 =	simm.s32 $0x1;
	[bflag:$0x0] =	sbarrier.arrive $0xFFFF  }
0x59: {  	s31 =	simm.s32 $0x2;
	[sflag:s2] =	ssyncpa.u1 $0x1  }
0x5a: {  	[sflag:s31] =	ssyncpa.u1 $0x1  }
0x5b: {  	p0 =	sne.s32 s0, $0x0;
	_ =	strace $0x9000004D  }
0x5c: {  	s0 =	sadd.s32 @!p0 $0x100000, s1;
	[bflag:$0x2] =	sbarrier.arrive $0xFFFF  }
0x5d: {  	[sflag:s0] =	ssyncadd.tile.s32 @!p0 $0x1;
	_ =	shalt  }
.Lfunc_end1:
_tile_overlayer_lowered:
.L_overlay_start_2:
0x5e: {  	(tag) =	ssettag $0x2  }
0x5f: {  	s0 =	rddreg [dreg:$0x0];
	s2 =	stileid.u32  }
0x60: {  	s1 =	rddreg [dreg:$0x1];
	p0 =	sne.s32 s2, $0x0  }
0x61: {  	s3 =	rddreg [dreg:$0x2];
	[bflag:$0x3] =	sbarrier.arrive $0xFFFF;
	s2 =	simm.s32 @!p0 $0x1C01  }
0x62: {  	[timem:s3], [sflag:s2] =	dma.local @!p0 [hbm:s0], s1  }
0x63: {  	s0 =	simm.s32 @!p0 $0x1  }
0x64: {  	_ =	swait.ge @!p0 [sflag:s0], s1  }
0x65: {  	s1 =	ssub.s32 @!p0 $0x0, s1;
	[sflag:s0] =	ssyncset.done @!p0 $0x0  }
0x66: {  	[sflag:s0] =	ssyncadd.s32 @!p0 s1  }
0x67: {  	[bflag:$0x3] =	sbarrier.arrive $0xFFFF  }
0x68: {  	_ =	shalt  }

</sc_bundles>
